<compile_context>
chip_gen: v7x
topology: tpu7x:2x2x1
jax: 0.10.2.dev20260603
libtpu: 0.0.44.dev20260713+nightly
codegen_flags: <defaults>
</compile_context>

<pallas_src>
import functools

import jax
import jax.numpy as jnp
from jax import lax
from jax.experimental import pallas as pl
from jax.experimental.pallas import tpu as pltpu
from jax.experimental.pallas import tpu_sc as plsc

_N = 10000
_E = 320000
_C = 128
_R = 8
_NB = 4
_RN = _R * _N

_NBLK = 10
_BLK = _N // _NBLK

_NW = 32
_CH = 80
_NCH = 125
_EPW = _NCH * _CH
_NACC = _N
_RPS = 624
_RREM = _N - 16 * _RPS


def _tables_body(x_ref, basis_ref, att_ref, root_ref, bias_ref,
                 table_ref, seed_ref):
    basis = basis_ref[...].reshape(_NB, _C * _C)
    w = jnp.dot(att_ref[...], basis,
                preferred_element_type=jnp.float32).reshape(_R, _C, _C)
    x = x_ref[...]
    for r in range(_R):
        table_ref[r] = jnp.dot(x, w[r], preferred_element_type=jnp.float32)
    seed_ref[...] = 0.5 * (
        jnp.dot(x, root_ref[...], preferred_element_type=jnp.float32)
        + bias_ref[...])


def _tables(x, basis, att, root, bias):
    return pl.pallas_call(
        _tables_body,
        grid=(_NBLK,),
        in_specs=[
            pl.BlockSpec((_BLK, _C), lambda i: (i, 0)),
            pl.BlockSpec((_NB, _C, _C), lambda i: (0, 0, 0)),
            pl.BlockSpec((_R, _NB), lambda i: (0, 0)),
            pl.BlockSpec((_C, _C), lambda i: (0, 0)),
            pl.BlockSpec((_C,), lambda i: (0,)),
        ],
        out_specs=[
            pl.BlockSpec((_R, _BLK, _C), lambda i: (0, i, 0)),
            pl.BlockSpec((_BLK, _C), lambda i: (i, 0)),
        ],
        out_shape=[
            jax.ShapeDtypeStruct((_R, _N, _C), jnp.float32),
            jax.ShapeDtypeStruct((_N, _C), jnp.float32),
        ],
    )(x, basis, att, root, bias)


def _tables2_body(p_ref, basis_ref, att_ref, root_ref, bias_ref,
                  table_ref, seed_ref):
    basis = basis_ref[...].reshape(_NB, _C * _C)
    w = jnp.dot(att_ref[...], basis,
                preferred_element_type=jnp.float32).reshape(_R, _C, _C)
    x = jnp.maximum(p_ref[0] + p_ref[1], 0.0)
    for r in range(_R):
        table_ref[r] = jnp.dot(x, w[r], preferred_element_type=jnp.float32)
    seed_ref[...] = 0.5 * (
        jnp.dot(x, root_ref[...], preferred_element_type=jnp.float32)
        + bias_ref[...])


def _tables2(p, basis, att, root, bias):
    return pl.pallas_call(
        _tables2_body,
        grid=(_NBLK,),
        in_specs=[
            pl.BlockSpec((2, _BLK, _C), lambda i: (0, i, 0)),
            pl.BlockSpec((_NB, _C, _C), lambda i: (0, 0, 0)),
            pl.BlockSpec((_R, _NB), lambda i: (0, 0)),
            pl.BlockSpec((_C, _C), lambda i: (0, 0)),
            pl.BlockSpec((_C,), lambda i: (0,)),
        ],
        out_specs=[
            pl.BlockSpec((_R, _BLK, _C), lambda i: (0, i, 0)),
            pl.BlockSpec((_BLK, _C), lambda i: (i, 0)),
        ],
        out_shape=[
            jax.ShapeDtypeStruct((_R, _N, _C), jnp.float32),
            jax.ShapeDtypeStruct((_N, _C), jnp.float32),
        ],
    )(p, basis, att, root, bias)


def _combine_body(p_ref, o_ref):
    o_ref[...] = p_ref[0] + p_ref[1]


def _combine(p):
    return pl.pallas_call(
        _combine_body,
        grid=(_NBLK,),
        in_specs=[pl.BlockSpec((2, _BLK, _C), lambda i: (0, i, 0))],
        out_specs=pl.BlockSpec((_BLK, _C), lambda i: (i, 0)),
        out_shape=jax.ShapeDtypeStruct((_N, _C), jnp.float32),
    )(p)


@functools.partial(
    pl.kernel,
    out_type=jax.ShapeDtypeStruct((2, _N, _C), jnp.float32),
    mesh=plsc.VectorSubcoreMesh(core_axis_name="c", subcore_axis_name="s"),
    scratch_types=[
        pltpu.VMEM((_EPW,), jnp.int32),
        pltpu.VMEM((_NCH, _CH), jnp.int32),
        pltpu.VMEM((_CH, _C), jnp.float32),
        pltpu.VMEM((_CH, _C), jnp.float32),
        pltpu.VMEM_SHARED((_NACC, _C), jnp.float32),
        pltpu.SemaphoreType.DMA,
        pltpu.SemaphoreType.DMA,
    ],
)
def _edge_scatter(table_hbm, gidx_hbm, dst_hbm, seed_hbm, out_hbm,
                  gidx_v, dst_v, rows_a, rows_b, acc_sh, sem_a, sem_b):
    cid = lax.axis_index("c")
    sid = lax.axis_index("s")
    wid = sid * 2 + cid

    pltpu.sync_copy(seed_hbm.at[pl.ds(sid * _RPS, _RPS)],
                    acc_sh.at[pl.ds(sid * _RPS, _RPS)])

    @pl.when(sid == 0)
    def _():
        pltpu.sync_copy(seed_hbm.at[pl.ds(16 * _RPS, _RREM)],
                        acc_sh.at[pl.ds(16 * _RPS, _RREM)])

    base = wid * _EPW
    pltpu.sync_copy(gidx_hbm.at[pl.ds(base, _EPW)], gidx_v)
    pltpu.sync_copy(dst_hbm.at[wid], dst_v)

    plsc.subcore_barrier()

    def gather_start(j, buf, sem):
        pltpu.async_copy(table_hbm.at[gidx_v.at[pl.ds(j * _CH, _CH)]],
                         buf, sem)

    def finish(j, buf, sem):
        pltpu.make_async_copy(table_hbm.at[gidx_v.at[pl.ds(j * _CH, _CH)]],
                              buf, sem).wait()
        pltpu.sync_copy(buf, acc_sh.at[dst_v.at[j]], add=True)

    gather_start(0, rows_a, sem_a)

    def body(i, carry):
        j = 2 * i
        gather_start(j + 1, rows_b, sem_b)
        finish(j, rows_a, sem_a)

        @pl.when(j + 2 < _NCH)
        def _():
            gather_start(j + 2, rows_a, sem_a)

        finish(j + 1, rows_b, sem_b)
        return carry

    lax.fori_loop(0, _NCH // 2, body, 0)
    finish(_NCH - 1, rows_a, sem_a)

    plsc.subcore_barrier()

    pltpu.sync_copy(acc_sh.at[pl.ds(sid * _RPS, _RPS)],
                    out_hbm.at[cid, pl.ds(sid * _RPS, _RPS)])

    @pl.when(sid == 0)
    def _():
        pltpu.sync_copy(acc_sh.at[pl.ds(16 * _RPS, _RREM)],
                        out_hbm.at[cid, pl.ds(16 * _RPS, _RREM)])


def kernel(x, edge_index, edge_attr, basis0, att0, root0, bias0,
           basis1, att1, root1, bias1):
    src = edge_index[0].astype(jnp.int32)
    dst = edge_index[1].astype(jnp.int32)
    gidx = edge_attr.astype(jnp.int32) * _N + src
    dst = dst.reshape(_NW, _NCH, _CH)

    table0, seed0 = _tables(x, basis0, att0, root0, bias0)
    p0 = _edge_scatter(table0.reshape(_RN, _C), gidx, dst, seed0)
    table1, seed1 = _tables2(p0, basis1, att1, root1, bias1)
    p1 = _edge_scatter(table1.reshape(_RN, _C), gidx, dst, seed1)
    return _combine(p1)

# --- scband reference (transcript-rebuilt; emitter-appended) ---
"""Pipeline reference for scband-kstep-rgcn-3461743641142 (READ-ONLY COPY).

The authoritative reference and input builder live on the scoring server;
editing this copy changes nothing except your own understanding.
"""

import jax, jax.numpy as jnp
import numpy as np

N = 10000
E = 320000
IN_C = 128
OUT_C = 128
R = 8
NB = 4

def setup_inputs(seed: int = 0):
    key = jax.random.key(seed)
    ks = jax.random.split(key, 16)
    x = jax.random.normal(ks[0], (N, IN_C), dtype=jnp.float32)
    edge_index = jax.random.randint(ks[1], (2, E), 0, N)
    edge_attr = jax.random.randint(ks[2], (E,), 0, R)
    s_in = 1.0 / np.sqrt(IN_C)
    s_out = 1.0 / np.sqrt(OUT_C)
    s_nb = 1.0 / np.sqrt(NB)
    basis0 = jax.random.normal(ks[3], (NB, IN_C, OUT_C), dtype=jnp.float32) * s_in
    att0 = jax.random.normal(ks[4], (R, NB), dtype=jnp.float32) * s_nb
    root0 = jax.random.normal(ks[5], (IN_C, OUT_C), dtype=jnp.float32) * s_in
    bias0 = jnp.zeros((OUT_C,), dtype=jnp.float32)
    basis1 = jax.random.normal(ks[6], (NB, OUT_C, OUT_C), dtype=jnp.float32) * s_out
    att1 = jax.random.normal(ks[7], (R, NB), dtype=jnp.float32) * s_nb
    root1 = jax.random.normal(ks[8], (OUT_C, OUT_C), dtype=jnp.float32) * s_out
    bias1 = jnp.zeros((OUT_C,), dtype=jnp.float32)
    return {"x": x, "edge_index": edge_index, "edge_attr": edge_attr,
            "basis0": basis0, "att0": att0, "root0": root0, "bias0": bias0,
            "basis1": basis1, "att1": att1, "root1": root1, "bias1": bias1}

def _rgcn_layer(x, src, dst, etype, basis, att, root, bias):
    # basis-decomposed relation weights: W_r = sum_b att[r,b] * basis[b]
    w = jnp.einsum('rb,bio->rio', att, basis)            # [R, in, out]
    # transform all nodes under every relation (equivalent to per-edge bmm)
    h = jnp.einsum('ni,rio->rno', x, w)                  # [R, N, out]
    msg = h[etype, src]                                  # [E, out] gather
    out = jax.ops.segment_sum(msg, dst, num_segments=x.shape[0])  # scatter-add
    out = out + x @ root + bias
    return out

def reference(x, edge_index, edge_attr, basis0, att0, root0, bias0, basis1, att1, root1, bias1):
    src = edge_index[0]
    dst = edge_index[1]
    h = _rgcn_layer(x, src, dst, edge_attr, basis0, att0, root0, bias0)
    h = jax.nn.relu(h)
    h = _rgcn_layer(h, src, dst, edge_attr, basis1, att1, root1, bias1)
    return h

if __name__ == "__main__":
    import jax
    _d = setup_inputs()
    print(jax.jit(kernel)(*tuple(_d.values())))

</pallas_src>

<mosaic_0001>
#map = affine_map<(d0, d1) -> (0, 0)>
#map1 = affine_map<(d0, d1) -> (0)>
#map2 = affine_map<(d0, d1) -> (0, 0, 0)>
module attributes {stable_mosaic.version = 14 : i64} {
  func.func @_edge_scatter(%arg0: i32, %arg1: i32, %arg2: memref<80000x128xf32, #tpu.memory_space<hbm>>, %arg3: memref<320000xi32, #tpu.memory_space<hbm>>, %arg4: memref<32x125x80xi32, #tpu.memory_space<hbm>>, %arg5: memref<10000x128xf32, #tpu.memory_space<hbm>>, %arg6: memref<2x10000x128xf32, #tpu.memory_space<hbm>>, %arg7: memref<10000xi32, #tpu.memory_space<vmem>>, %arg8: memref<125x80xi32, #tpu.memory_space<vmem>>, %arg9: memref<80x128xf32, #tpu.memory_space<vmem>>, %arg10: memref<80x128xf32, #tpu.memory_space<vmem>>, %arg11: memref<10000x128xf32, #tpu.memory_space<vmem_shared>>, %arg12: memref<!tpu.dma_semaphore, #tpu.memory_space<semaphore_mem>>, %arg13: memref<!tpu.dma_semaphore, #tpu.memory_space<semaphore_mem>>) attributes {dimension_semantics = [#tpu.dimension_semantics<core_parallel>, #tpu.dimension_semantics<subcore_parallel>], iteration_bounds = array<i64: 2, 16>, scalar_prefetch = 0 : i64, scratch_operands = 7 : i64, tpu.core_type = #tpu.core_type<sc_vector_subcore>, window_params = [{transform_indices = #map}, {transform_indices = #map1}, {transform_indices = #map2}, {transform_indices = #map}, {transform_indices = #map2}]} {
    %mul3A = arith.constant 2 : i32
    %mul3A_0 = arith.muli %arg1, %mul3A : i32
    %add3A = arith.addi %mul3A_0, %arg0 : i32
    %mul3A_1 = arith.constant 624 : i32
    %mul3A_2 = arith.muli %arg1, %mul3A_1 : i32
    %mul3A_3 = arith.constant 624 : i32
    %mul3A_4 = arith.muli %arg1, %mul3A_3 : i32
    "tpu.region"() ({
      %run_scoped3A_32 = tpu.sem_alloc : memref<!tpu.dma_semaphore, #tpu.memory_space<semaphore_mem>>
      %dma_start3A_33 = arith.constant 0 : i32
      %dma_start3A_34 = tpu.memref_slice %arg11[%mul3A_4, %dma_start3A_33] : memref<10000x128xf32, #tpu.memory_space<vmem_shared>> -> memref<624x128xf32, #tpu.memory_space<vmem_shared>>
      %dma_start3A_35 = arith.constant 0 : i32
      %dma_start3A_36 = tpu.memref_slice %arg5[%mul3A_2, %dma_start3A_35] : memref<10000x128xf32, #tpu.memory_space<hbm>> -> memref<624x128xf32, #tpu.memory_space<hbm>>
      tpu.enqueue_dma source(%dma_start3A_36 : memref<624x128xf32, #tpu.memory_space<hbm>>) target(%dma_start3A_34 : memref<624x128xf32, #tpu.memory_space<vmem_shared>>) target_semaphore(%run_scoped3A_32 : memref<!tpu.dma_semaphore, #tpu.memory_space<semaphore_mem>>)
      %dma_wait3A_37 = arith.constant 0 : i32
      %dma_wait3A_38 = tpu.memref_slice %arg11[%mul3A_4, %dma_wait3A_37] : memref<10000x128xf32, #tpu.memory_space<vmem_shared>> -> memref<624x128xf32, #tpu.memory_space<vmem_shared>>
      %dma_wait3A_39 = arith.constant 0 : i32
      %dma_wait3A_40 = tpu.memref_slice %arg5[%mul3A_2, %dma_wait3A_39] : memref<10000x128xf32, #tpu.memory_space<hbm>> -> memref<624x128xf32, #tpu.memory_space<hbm>>
      tpu.wait_dma2 semaphore(%run_scoped3A_32 : memref<!tpu.dma_semaphore, #tpu.memory_space<semaphore_mem>>) src(%dma_wait3A_40 : memref<624x128xf32, #tpu.memory_space<hbm>>) dst(%dma_wait3A_38 : memref<624x128xf32, #tpu.memory_space<vmem_shared>>)
      tpu.yield
    }) : () -> ()
    %eq3A = arith.constant 0 : i32
    %eq3A_5 = arith.cmpi eq, %arg1, %eq3A : i32
    %convert_element_type3A = arith.extui %eq3A_5 : i1 to i32
    %cond3A = arith.constant 0 : i32
    %cond3A_6 = arith.cmpi ne, %convert_element_type3A, %cond3A : i32
    scf.if %cond3A_6 {
      "tpu.region"() ({
        %run_scoped3A_32 = tpu.sem_alloc : memref<!tpu.dma_semaphore, #tpu.memory_space<semaphore_mem>>
        %dma_start3A_33 = arith.constant 9984 : i32
        %dma_start3A_34 = arith.constant 0 : i32
        %dma_start3A_35 = tpu.memref_slice %arg11[%dma_start3A_33, %dma_start3A_34] : memref<10000x128xf32, #tpu.memory_space<vmem_shared>> -> memref<16x128xf32, #tpu.memory_space<vmem_shared>>
        %dma_start3A_36 = arith.constant 9984 : i32
        %dma_start3A_37 = arith.constant 0 : i32
        %dma_start3A_38 = tpu.memref_slice %arg5[%dma_start3A_36, %dma_start3A_37] : memref<10000x128xf32, #tpu.memory_space<hbm>> -> memref<16x128xf32, #tpu.memory_space<hbm>>
        tpu.enqueue_dma source(%dma_start3A_38 : memref<16x128xf32, #tpu.memory_space<hbm>>) target(%dma_start3A_35 : memref<16x128xf32, #tpu.memory_space<vmem_shared>>) target_semaphore(%run_scoped3A_32 : memref<!tpu.dma_semaphore, #tpu.memory_space<semaphore_mem>>)
        %dma_wait3A_39 = arith.constant 9984 : i32
        %dma_wait3A_40 = arith.constant 0 : i32
        %dma_wait3A_41 = tpu.memref_slice %arg11[%dma_wait3A_39, %dma_wait3A_40] : memref<10000x128xf32, #tpu.memory_space<vmem_shared>> -> memref<16x128xf32, #tpu.memory_space<vmem_shared>>
        %dma_wait3A_42 = arith.constant 9984 : i32
        %dma_wait3A_43 = arith.constant 0 : i32
        %dma_wait3A_44 = tpu.memref_slice %arg5[%dma_wait3A_42, %dma_wait3A_43] : memref<10000x128xf32, #tpu.memory_space<hbm>> -> memref<16x128xf32, #tpu.memory_space<hbm>>
        tpu.wait_dma2 semaphore(%run_scoped3A_32 : memref<!tpu.dma_semaphore, #tpu.memory_space<semaphore_mem>>) src(%dma_wait3A_44 : memref<16x128xf32, #tpu.memory_space<hbm>>) dst(%dma_wait3A_41 : memref<16x128xf32, #tpu.memory_space<vmem_shared>>)
        tpu.yield
      }) : () -> ()
    } else {
    }
    %mul3A_7 = arith.constant 10000 : i32
    %mul3A_8 = arith.muli %add3A, %mul3A_7 : i32
    "tpu.region"() ({
      %run_scoped3A_32 = tpu.sem_alloc : memref<!tpu.dma_semaphore, #tpu.memory_space<semaphore_mem>>
      %dma_start3A_33 = tpu.memref_slice %arg3[%mul3A_8] : memref<320000xi32, #tpu.memory_space<hbm>> -> memref<10000xi32, #tpu.memory_space<hbm>>
      %dma_start3A_34 = tpu.memref_slice %arg3[%mul3A_8] : memref<320000xi32, #tpu.memory_space<hbm>> -> memref<10000xi32, #tpu.memory_space<hbm>>
      tpu.enqueue_dma source(%dma_start3A_34 : memref<10000xi32, #tpu.memory_space<hbm>>) target(%arg7 : memref<10000xi32, #tpu.memory_space<vmem>>) target_semaphore(%run_scoped3A_32 : memref<!tpu.dma_semaphore, #tpu.memory_space<semaphore_mem>>)
      %dma_wait3A_35 = tpu.memref_slice %arg3[%mul3A_8] : memref<320000xi32, #tpu.memory_space<hbm>> -> memref<10000xi32, #tpu.memory_space<hbm>>
      %dma_wait3A_36 = tpu.memref_slice %arg3[%mul3A_8] : memref<320000xi32, #tpu.memory_space<hbm>> -> memref<10000xi32, #tpu.memory_space<hbm>>
      tpu.wait_dma2 semaphore(%run_scoped3A_32 : memref<!tpu.dma_semaphore, #tpu.memory_space<semaphore_mem>>) src(%dma_wait3A_36 : memref<10000xi32, #tpu.memory_space<hbm>>) dst(%arg7 : memref<10000xi32, #tpu.memory_space<vmem>>)
      tpu.yield
    }) : () -> ()
    "tpu.region"() ({
      %run_scoped3A_32 = tpu.sem_alloc : memref<!tpu.dma_semaphore, #tpu.memory_space<semaphore_mem>>
      %dma_start3A_33 = arith.constant 0 : i32
      %dma_start3A_34 = arith.constant 0 : i32
      %dma_start3A_35 = tpu.memref_slice %arg4[%add3A, %dma_start3A_33, %dma_start3A_34] : memref<32x125x80xi32, #tpu.memory_space<hbm>> -> memref<1x125x80xi32, #tpu.memory_space<hbm>>
      %dma_start3A_36 = tpu.memref_squeeze %dma_start3A_35 : memref<1x125x80xi32, #tpu.memory_space<hbm>> -> memref<125x80xi32, #tpu.memory_space<hbm>>
      %dma_start3A_37 = arith.constant 0 : i32
      %dma_start3A_38 = arith.constant 0 : i32
      %dma_start3A_39 = tpu.memref_slice %arg4[%add3A, %dma_start3A_37, %dma_start3A_38] : memref<32x125x80xi32, #tpu.memory_space<hbm>> -> memref<1x125x80xi32, #tpu.memory_space<hbm>>
      %dma_start3A_40 = tpu.memref_squeeze %dma_start3A_39 : memref<1x125x80xi32, #tpu.memory_space<hbm>> -> memref<125x80xi32, #tpu.memory_space<hbm>>
      tpu.enqueue_dma source(%dma_start3A_40 : memref<125x80xi32, #tpu.memory_space<hbm>>) target(%arg8 : memref<125x80xi32, #tpu.memory_space<vmem>>) target_semaphore(%run_scoped3A_32 : memref<!tpu.dma_semaphore, #tpu.memory_space<semaphore_mem>>)
      %dma_wait3A_41 = arith.constant 0 : i32
      %dma_wait3A_42 = arith.constant 0 : i32
      %dma_wait3A_43 = tpu.memref_slice %arg4[%add3A, %dma_wait3A_41, %dma_wait3A_42] : memref<32x125x80xi32, #tpu.memory_space<hbm>> -> memref<1x125x80xi32, #tpu.memory_space<hbm>>
      %dma_wait3A_44 = tpu.memref_squeeze %dma_wait3A_43 : memref<1x125x80xi32, #tpu.memory_space<hbm>> -> memref<125x80xi32, #tpu.memory_space<hbm>>
      %dma_wait3A_45 = arith.constant 0 : i32
      %dma_wait3A_46 = arith.constant 0 : i32
      %dma_wait3A_47 = tpu.memref_slice %arg4[%add3A, %dma_wait3A_45, %dma_wait3A_46] : memref<32x125x80xi32, #tpu.memory_space<hbm>> -> memref<1x125x80xi32, #tpu.memory_space<hbm>>
      %dma_wait3A_48 = tpu.memref_squeeze %dma_wait3A_47 : memref<1x125x80xi32, #tpu.memory_space<hbm>> -> memref<125x80xi32, #tpu.memory_space<hbm>>
      tpu.wait_dma2 semaphore(%run_scoped3A_32 : memref<!tpu.dma_semaphore, #tpu.memory_space<semaphore_mem>>) src(%dma_wait3A_48 : memref<125x80xi32, #tpu.memory_space<hbm>>) dst(%arg8 : memref<125x80xi32, #tpu.memory_space<vmem>>)
      tpu.yield
    }) : () -> ()
    %barrier3A = arith.constant 0 : index
    tpu.barrier barrier_id(%barrier3A)
    %dma_start3A = arith.constant 0 : i32
    %dma_start3A_9 = tpu.memref_slice %arg7[%dma_start3A] : memref<10000xi32, #tpu.memory_space<vmem>> -> memref<80xi32, #tpu.memory_space<vmem>>
    %dma_start3A_10 = arith.constant 0 : i32
    %dma_start3A_11 = arith.constant 0 : i32
    %dma_start3A_12 = tpu.memref_slice %arg2[%dma_start3A_10, %dma_start3A_11] : memref<80000x128xf32, #tpu.memory_space<hbm>> -> memref<80000x128xf32, #tpu.memory_space<hbm>>
    tpu.enqueue_indirect_dma source(%dma_start3A_12 : memref<80000x128xf32, #tpu.memory_space<hbm>>) target(%arg9 : memref<80x128xf32, #tpu.memory_space<vmem>>) offsets(%dma_start3A_9 : memref<80xi32, #tpu.memory_space<vmem>>) semaphore(%arg12 : memref<!tpu.dma_semaphore, #tpu.memory_space<semaphore_mem>>)
    %scan3A = arith.constant 0 : i32
    %scan3A_13 = arith.constant 0 : i32
    %scan3A_14 = arith.constant 62 : i32
    %scan3A_15 = arith.addi %scan3A_13, %scan3A_14 : i32
    %scan3A_16 = arith.constant 1 : i32
    scf.for %scan3A_32 = %scan3A_13 to %scan3A_15 step %scan3A_16  : i32 {
      %mul3A_33 = arith.constant 2 : i32
      %mul3A_34 = arith.muli %mul3A_33, %scan3A_32 : i32
      %add3A_35 = arith.constant 1 : i32
      %add3A_36 = arith.addi %mul3A_34, %add3A_35 : i32
      %mul3A_37 = arith.constant 80 : i32
      %mul3A_38 = arith.muli %add3A_36, %mul3A_37 : i32
      %dma_start3A_39 = tpu.memref_slice %arg7[%mul3A_38] : memref<10000xi32, #tpu.memory_space<vmem>> -> memref<80xi32, #tpu.memory_space<vmem>>
      %dma_start3A_40 = arith.constant 0 : i32
      %dma_start3A_41 = arith.constant 0 : i32
      %dma_start3A_42 = tpu.memref_slice %arg2[%dma_start3A_40, %dma_start3A_41] : memref<80000x128xf32, #tpu.memory_space<hbm>> -> memref<80000x128xf32, #tpu.memory_space<hbm>>
      tpu.enqueue_indirect_dma source(%dma_start3A_42 : memref<80000x128xf32, #tpu.memory_space<hbm>>) target(%arg10 : memref<80x128xf32, #tpu.memory_space<vmem>>) offsets(%dma_start3A_39 : memref<80xi32, #tpu.memory_space<vmem>>) semaphore(%arg13 : memref<!tpu.dma_semaphore, #tpu.memory_space<semaphore_mem>>)
      %mul3A_43 = arith.constant 80 : i32
      %mul3A_44 = arith.muli %mul3A_34, %mul3A_43 : i32
      %dma_wait3A_45 = tpu.memref_slice %arg7[%mul3A_44] : memref<10000xi32, #tpu.memory_space<vmem>> -> memref<80xi32, #tpu.memory_space<vmem>>
      %dma_wait3A_46 = arith.constant 0 : i32
      %dma_wait3A_47 = arith.constant 0 : i32
      %dma_wait3A_48 = tpu.memref_slice %arg2[%dma_wait3A_46, %dma_wait3A_47] : memref<80000x128xf32, #tpu.memory_space<hbm>> -> memref<80000x128xf32, #tpu.memory_space<hbm>>
      tpu.wait_indirect_dma semaphore(%arg12 : memref<!tpu.dma_semaphore, #tpu.memory_space<semaphore_mem>>) src(%dma_wait3A_48 : memref<80000x128xf32, #tpu.memory_space<hbm>>) dst(%arg9 : memref<80x128xf32, #tpu.memory_space<vmem>>)
      "tpu.region"() ({
        %run_scoped3A_63 = tpu.sem_alloc : memref<!tpu.dma_semaphore, #tpu.memory_space<semaphore_mem>>
        %dma_start3A_64 = arith.constant 0 : i32
        %dma_start3A_65 = tpu.memref_slice %arg8[%mul3A_34, %dma_start3A_64] : memref<125x80xi32, #tpu.memory_space<vmem>> -> memref<1x80xi32, #tpu.memory_space<vmem>>
        %dma_start3A_66 = tpu.memref_squeeze %dma_start3A_65 : memref<1x80xi32, #tpu.memory_space<vmem>> -> memref<80xi32, #tpu.memory_space<vmem>>
        %dma_start3A_67 = arith.constant 0 : i32
        %dma_start3A_68 = arith.constant 0 : i32
        %dma_start3A_69 = tpu.memref_slice %arg11[%dma_start3A_67, %dma_start3A_68] : memref<10000x128xf32, #tpu.memory_space<vmem_shared>> -> memref<10000x128xf32, #tpu.memory_space<vmem_shared>>
        tpu.enqueue_indirect_dma source(%arg9 : memref<80x128xf32, #tpu.memory_space<vmem>>) target(%dma_start3A_69 : memref<10000x128xf32, #tpu.memory_space<vmem_shared>>) offsets(%dma_start3A_66 : memref<80xi32, #tpu.memory_space<vmem>>) semaphore(%run_scoped3A_63 : memref<!tpu.dma_semaphore, #tpu.memory_space<semaphore_mem>>) {add = true}
        %dma_wait3A_70 = arith.constant 0 : i32
        %dma_wait3A_71 = tpu.memref_slice %arg8[%mul3A_34, %dma_wait3A_70] : memref<125x80xi32, #tpu.memory_space<vmem>> -> memref<1x80xi32, #tpu.memory_space<vmem>>
        %dma_wait3A_72 = tpu.memref_squeeze %dma_wait3A_71 : memref<1x80xi32, #tpu.memory_space<vmem>> -> memref<80xi32, #tpu.memory_space<vmem>>
        %dma_wait3A_73 = arith.constant 0 : i32
        %dma_wait3A_74 = arith.constant 0 : i32
        %dma_wait3A_75 = tpu.memref_slice %arg11[%dma_wait3A_73, %dma_wait3A_74] : memref<10000x128xf32, #tpu.memory_space<vmem_shared>> -> memref<10000x128xf32, #tpu.memory_space<vmem_shared>>
        tpu.wait_indirect_dma semaphore(%run_scoped3A_63 : memref<!tpu.dma_semaphore, #tpu.memory_space<semaphore_mem>>) src(%arg9 : memref<80x128xf32, #tpu.memory_space<vmem>>) dst(%dma_wait3A_75 : memref<10000x128xf32, #tpu.memory_space<vmem_shared>>)
        tpu.yield
      }) : () -> ()
      %add3A_49 = arith.constant 2 : i32
      %add3A_50 = arith.addi %mul3A_34, %add3A_49 : i32
      %lt3A = arith.constant 125 : i32
      %lt3A_51 = arith.cmpi slt, %add3A_50, %lt3A : i32
      %convert_element_type3A_52 = arith.extui %lt3A_51 : i1 to i32
      %cond3A_53 = arith.constant 0 : i32
      %cond3A_54 = arith.cmpi ne, %convert_element_type3A_52, %cond3A_53 : i32
      scf.if %cond3A_54 {
        %add3A_63 = arith.constant 2 : i32
        %add3A_64 = arith.addi %mul3A_34, %add3A_63 : i32
        %mul3A_65 = arith.constant 80 : i32
        %mul3A_66 = arith.muli %add3A_64, %mul3A_65 : i32
        %dma_start3A_67 = tpu.memref_slice %arg7[%mul3A_66] : memref<10000xi32, #tpu.memory_space<vmem>> -> memref<80xi32, #tpu.memory_space<vmem>>
        %dma_start3A_68 = arith.constant 0 : i32
        %dma_start3A_69 = arith.constant 0 : i32
        %dma_start3A_70 = tpu.memref_slice %arg2[%dma_start3A_68, %dma_start3A_69] : memref<80000x128xf32, #tpu.memory_space<hbm>> -> memref<80000x128xf32, #tpu.memory_space<hbm>>
        tpu.enqueue_indirect_dma source(%dma_start3A_70 : memref<80000x128xf32, #tpu.memory_space<hbm>>) target(%arg9 : memref<80x128xf32, #tpu.memory_space<vmem>>) offsets(%dma_start3A_67 : memref<80xi32, #tpu.memory_space<vmem>>) semaphore(%arg12 : memref<!tpu.dma_semaphore, #tpu.memory_space<semaphore_mem>>)
      } else {
      }
      %add3A_55 = arith.constant 1 : i32
      %add3A_56 = arith.addi %mul3A_34, %add3A_55 : i32
      %mul3A_57 = arith.constant 80 : i32
      %mul3A_58 = arith.muli %add3A_56, %mul3A_57 : i32
      %dma_wait3A_59 = tpu.memref_slice %arg7[%mul3A_58] : memref<10000xi32, #tpu.memory_space<vmem>> -> memref<80xi32, #tpu.memory_space<vmem>>
      %dma_wait3A_60 = arith.constant 0 : i32
      %dma_wait3A_61 = arith.constant 0 : i32
      %dma_wait3A_62 = tpu.memref_slice %arg2[%dma_wait3A_60, %dma_wait3A_61] : memref<80000x128xf32, #tpu.memory_space<hbm>> -> memref<80000x128xf32, #tpu.memory_space<hbm>>
      tpu.wait_indirect_dma semaphore(%arg13 : memref<!tpu.dma_semaphore, #tpu.memory_space<semaphore_mem>>) src(%dma_wait3A_62 : memref<80000x128xf32, #tpu.memory_space<hbm>>) dst(%arg10 : memref<80x128xf32, #tpu.memory_space<vmem>>)
      "tpu.region"() ({
        %run_scoped3A_63 = tpu.sem_alloc : memref<!tpu.dma_semaphore, #tpu.memory_space<semaphore_mem>>
        %dma_start3A_64 = arith.constant 0 : i32
        %dma_start3A_65 = tpu.memref_slice %arg8[%add3A_56, %dma_start3A_64] : memref<125x80xi32, #tpu.memory_space<vmem>> -> memref<1x80xi32, #tpu.memory_space<vmem>>
        %dma_start3A_66 = tpu.memref_squeeze %dma_start3A_65 : memref<1x80xi32, #tpu.memory_space<vmem>> -> memref<80xi32, #tpu.memory_space<vmem>>
        %dma_start3A_67 = arith.constant 0 : i32
        %dma_start3A_68 = arith.constant 0 : i32
        %dma_start3A_69 = tpu.memref_slice %arg11[%dma_start3A_67, %dma_start3A_68] : memref<10000x128xf32, #tpu.memory_space<vmem_shared>> -> memref<10000x128xf32, #tpu.memory_space<vmem_shared>>
        tpu.enqueue_indirect_dma source(%arg10 : memref<80x128xf32, #tpu.memory_space<vmem>>) target(%dma_start3A_69 : memref<10000x128xf32, #tpu.memory_space<vmem_shared>>) offsets(%dma_start3A_66 : memref<80xi32, #tpu.memory_space<vmem>>) semaphore(%run_scoped3A_63 : memref<!tpu.dma_semaphore, #tpu.memory_space<semaphore_mem>>) {add = true}
        %dma_wait3A_70 = arith.constant 0 : i32
        %dma_wait3A_71 = tpu.memref_slice %arg8[%add3A_56, %dma_wait3A_70] : memref<125x80xi32, #tpu.memory_space<vmem>> -> memref<1x80xi32, #tpu.memory_space<vmem>>
        %dma_wait3A_72 = tpu.memref_squeeze %dma_wait3A_71 : memref<1x80xi32, #tpu.memory_space<vmem>> -> memref<80xi32, #tpu.memory_space<vmem>>
        %dma_wait3A_73 = arith.constant 0 : i32
        %dma_wait3A_74 = arith.constant 0 : i32
        %dma_wait3A_75 = tpu.memref_slice %arg11[%dma_wait3A_73, %dma_wait3A_74] : memref<10000x128xf32, #tpu.memory_space<vmem_shared>> -> memref<10000x128xf32, #tpu.memory_space<vmem_shared>>
        tpu.wait_indirect_dma semaphore(%run_scoped3A_63 : memref<!tpu.dma_semaphore, #tpu.memory_space<semaphore_mem>>) src(%arg10 : memref<80x128xf32, #tpu.memory_space<vmem>>) dst(%dma_wait3A_75 : memref<10000x128xf32, #tpu.memory_space<vmem_shared>>)
        tpu.yield
      }) : () -> ()
    }
    %scan3A_17 = arith.constant 62 : i32
    %dma_wait3A = arith.constant 9920 : i32
    %dma_wait3A_18 = tpu.memref_slice %arg7[%dma_wait3A] : memref<10000xi32, #tpu.memory_space<vmem>> -> memref<80xi32, #tpu.memory_space<vmem>>
    %dma_wait3A_19 = arith.constant 0 : i32
    %dma_wait3A_20 = arith.constant 0 : i32
    %dma_wait3A_21 = tpu.memref_slice %arg2[%dma_wait3A_19, %dma_wait3A_20] : memref<80000x128xf32, #tpu.memory_space<hbm>> -> memref<80000x128xf32, #tpu.memory_space<hbm>>
    tpu.wait_indirect_dma semaphore(%arg12 : memref<!tpu.dma_semaphore, #tpu.memory_space<semaphore_mem>>) src(%dma_wait3A_21 : memref<80000x128xf32, #tpu.memory_space<hbm>>) dst(%arg9 : memref<80x128xf32, #tpu.memory_space<vmem>>)
    %run_scoped3A = arith.constant 124 : i32
    "tpu.region"() ({
      %run_scoped3A_32 = tpu.sem_alloc : memref<!tpu.dma_semaphore, #tpu.memory_space<semaphore_mem>>
      %dma_start3A_33 = arith.constant 0 : i32
      %dma_start3A_34 = tpu.memref_slice %arg8[%run_scoped3A, %dma_start3A_33] : memref<125x80xi32, #tpu.memory_space<vmem>> -> memref<1x80xi32, #tpu.memory_space<vmem>>
      %dma_start3A_35 = tpu.memref_squeeze %dma_start3A_34 : memref<1x80xi32, #tpu.memory_space<vmem>> -> memref<80xi32, #tpu.memory_space<vmem>>
      %dma_start3A_36 = arith.constant 0 : i32
      %dma_start3A_37 = arith.constant 0 : i32
      %dma_start3A_38 = tpu.memref_slice %arg11[%dma_start3A_36, %dma_start3A_37] : memref<10000x128xf32, #tpu.memory_space<vmem_shared>> -> memref<10000x128xf32, #tpu.memory_space<vmem_shared>>
      tpu.enqueue_indirect_dma source(%arg9 : memref<80x128xf32, #tpu.memory_space<vmem>>) target(%dma_start3A_38 : memref<10000x128xf32, #tpu.memory_space<vmem_shared>>) offsets(%dma_start3A_35 : memref<80xi32, #tpu.memory_space<vmem>>) semaphore(%run_scoped3A_32 : memref<!tpu.dma_semaphore, #tpu.memory_space<semaphore_mem>>) {add = true}
      %dma_wait3A_39 = arith.constant 0 : i32
      %dma_wait3A_40 = tpu.memref_slice %arg8[%run_scoped3A, %dma_wait3A_39] : memref<125x80xi32, #tpu.memory_space<vmem>> -> memref<1x80xi32, #tpu.memory_space<vmem>>
      %dma_wait3A_41 = tpu.memref_squeeze %dma_wait3A_40 : memref<1x80xi32, #tpu.memory_space<vmem>> -> memref<80xi32, #tpu.memory_space<vmem>>
      %dma_wait3A_42 = arith.constant 0 : i32
      %dma_wait3A_43 = arith.constant 0 : i32
      %dma_wait3A_44 = tpu.memref_slice %arg11[%dma_wait3A_42, %dma_wait3A_43] : memref<10000x128xf32, #tpu.memory_space<vmem_shared>> -> memref<10000x128xf32, #tpu.memory_space<vmem_shared>>
      tpu.wait_indirect_dma semaphore(%run_scoped3A_32 : memref<!tpu.dma_semaphore, #tpu.memory_space<semaphore_mem>>) src(%arg9 : memref<80x128xf32, #tpu.memory_space<vmem>>) dst(%dma_wait3A_44 : memref<10000x128xf32, #tpu.memory_space<vmem_shared>>)
      tpu.yield
    }) : () -> ()
    %barrier3A_22 = arith.constant 0 : index
    tpu.barrier barrier_id(%barrier3A_22)
    %mul3A_23 = arith.constant 624 : i32
    %mul3A_24 = arith.muli %arg1, %mul3A_23 : i32
    %mul3A_25 = arith.constant 624 : i32
    %mul3A_26 = arith.muli %arg1, %mul3A_25 : i32
    "tpu.region"() ({
      %run_scoped3A_32 = tpu.sem_alloc : memref<!tpu.dma_semaphore, #tpu.memory_space<semaphore_mem>>
      %dma_start3A_33 = arith.constant 0 : i32
      %dma_start3A_34 = tpu.memref_slice %arg6[%arg0, %mul3A_26, %dma_start3A_33] : memref<2x10000x128xf32, #tpu.memory_space<hbm>> -> memref<1x624x128xf32, #tpu.memory_space<hbm>>
      %dma_start3A_35 = tpu.memref_squeeze %dma_start3A_34 : memref<1x624x128xf32, #tpu.memory_space<hbm>> -> memref<624x128xf32, #tpu.memory_space<hbm>>
      %dma_start3A_36 = arith.constant 0 : i32
      %dma_start3A_37 = tpu.memref_slice %arg11[%mul3A_24, %dma_start3A_36] : memref<10000x128xf32, #tpu.memory_space<vmem_shared>> -> memref<624x128xf32, #tpu.memory_space<vmem_shared>>
      tpu.enqueue_dma source(%dma_start3A_37 : memref<624x128xf32, #tpu.memory_space<vmem_shared>>) target(%dma_start3A_35 : memref<624x128xf32, #tpu.memory_space<hbm>>) target_semaphore(%run_scoped3A_32 : memref<!tpu.dma_semaphore, #tpu.memory_space<semaphore_mem>>)
      %dma_wait3A_38 = arith.constant 0 : i32
      %dma_wait3A_39 = tpu.memref_slice %arg6[%arg0, %mul3A_26, %dma_wait3A_38] : memref<2x10000x128xf32, #tpu.memory_space<hbm>> -> memref<1x624x128xf32, #tpu.memory_space<hbm>>
      %dma_wait3A_40 = tpu.memref_squeeze %dma_wait3A_39 : memref<1x624x128xf32, #tpu.memory_space<hbm>> -> memref<624x128xf32, #tpu.memory_space<hbm>>
      %dma_wait3A_41 = arith.constant 0 : i32
      %dma_wait3A_42 = tpu.memref_slice %arg11[%mul3A_24, %dma_wait3A_41] : memref<10000x128xf32, #tpu.memory_space<vmem_shared>> -> memref<624x128xf32, #tpu.memory_space<vmem_shared>>
      tpu.wait_dma2 semaphore(%run_scoped3A_32 : memref<!tpu.dma_semaphore, #tpu.memory_space<semaphore_mem>>) src(%dma_wait3A_42 : memref<624x128xf32, #tpu.memory_space<vmem_shared>>) dst(%dma_wait3A_40 : memref<624x128xf32, #tpu.memory_space<hbm>>)
      tpu.yield
    }) : () -> ()
    %eq3A_27 = arith.constant 0 : i32
    %eq3A_28 = arith.cmpi eq, %arg1, %eq3A_27 : i32
    %convert_element_type3A_29 = arith.extui %eq3A_28 : i1 to i32
    %cond3A_30 = arith.constant 0 : i32
    %cond3A_31 = arith.cmpi ne, %convert_element_type3A_29, %cond3A_30 : i32
    scf.if %cond3A_31 {
      "tpu.region"() ({
        %run_scoped3A_32 = tpu.sem_alloc : memref<!tpu.dma_semaphore, #tpu.memory_space<semaphore_mem>>
        %dma_start3A_33 = arith.constant 9984 : i32
        %dma_start3A_34 = arith.constant 0 : i32
        %dma_start3A_35 = tpu.memref_slice %arg6[%arg0, %dma_start3A_33, %dma_start3A_34] : memref<2x10000x128xf32, #tpu.memory_space<hbm>> -> memref<1x16x128xf32, #tpu.memory_space<hbm>>
        %dma_start3A_36 = tpu.memref_squeeze %dma_start3A_35 : memref<1x16x128xf32, #tpu.memory_space<hbm>> -> memref<16x128xf32, #tpu.memory_space<hbm>>
        %dma_start3A_37 = arith.constant 9984 : i32
        %dma_start3A_38 = arith.constant 0 : i32
        %dma_start3A_39 = tpu.memref_slice %arg11[%dma_start3A_37, %dma_start3A_38] : memref<10000x128xf32, #tpu.memory_space<vmem_shared>> -> memref<16x128xf32, #tpu.memory_space<vmem_shared>>
        tpu.enqueue_dma source(%dma_start3A_39 : memref<16x128xf32, #tpu.memory_space<vmem_shared>>) target(%dma_start3A_36 : memref<16x128xf32, #tpu.memory_space<hbm>>) target_semaphore(%run_scoped3A_32 : memref<!tpu.dma_semaphore, #tpu.memory_space<semaphore_mem>>)
        %dma_wait3A_40 = arith.constant 9984 : i32
        %dma_wait3A_41 = arith.constant 0 : i32
        %dma_wait3A_42 = tpu.memref_slice %arg6[%arg0, %dma_wait3A_40, %dma_wait3A_41] : memref<2x10000x128xf32, #tpu.memory_space<hbm>> -> memref<1x16x128xf32, #tpu.memory_space<hbm>>
        %dma_wait3A_43 = tpu.memref_squeeze %dma_wait3A_42 : memref<1x16x128xf32, #tpu.memory_space<hbm>> -> memref<16x128xf32, #tpu.memory_space<hbm>>
        %dma_wait3A_44 = arith.constant 9984 : i32
        %dma_wait3A_45 = arith.constant 0 : i32
        %dma_wait3A_46 = tpu.memref_slice %arg11[%dma_wait3A_44, %dma_wait3A_45] : memref<10000x128xf32, #tpu.memory_space<vmem_shared>> -> memref<16x128xf32, #tpu.memory_space<vmem_shared>>
        tpu.wait_dma2 semaphore(%run_scoped3A_32 : memref<!tpu.dma_semaphore, #tpu.memory_space<semaphore_mem>>) src(%dma_wait3A_46 : memref<16x128xf32, #tpu.memory_space<vmem_shared>>) dst(%dma_wait3A_43 : memref<16x128xf32, #tpu.memory_space<hbm>>)
        tpu.yield
      }) : () -> ()
    } else {
    }
    return
  }
}

#map = affine_map<(d0, d1) -> (0, 0)>
#map1 = affine_map<(d0, d1) -> (0)>
#map2 = affine_map<(d0, d1) -> (0, 0, 0)>
module attributes {stable_mosaic.version = 14 : i64} {
  func.func @_edge_scatter(%arg0: i32, %arg1: i32, %arg2: memref<80000x128xf32, #tpu.memory_space<hbm>>, %arg3: memref<320000xi32, #tpu.memory_space<hbm>>, %arg4: memref<32x125x80xi32, #tpu.memory_space<hbm>>, %arg5: memref<10000x128xf32, #tpu.memory_space<hbm>>, %arg6: memref<2x10000x128xf32, #tpu.memory_space<hbm>>, %arg7: memref<10000xi32, #tpu.memory_space<vmem>>, %arg8: memref<125x80xi32, #tpu.memory_space<vmem>>, %arg9: memref<80x128xf32, #tpu.memory_space<vmem>>, %arg10: memref<80x128xf32, #tpu.memory_space<vmem>>, %arg11: memref<10000x128xf32, #tpu.memory_space<vmem_shared>>, %arg12: memref<!tpu.dma_semaphore, #tpu.memory_space<semaphore_mem>>, %arg13: memref<!tpu.dma_semaphore, #tpu.memory_space<semaphore_mem>>) attributes {dimension_semantics = [#tpu.dimension_semantics<core_parallel>, #tpu.dimension_semantics<subcore_parallel>], iteration_bounds = array<i64: 2, 16>, scalar_prefetch = 0 : i64, scratch_operands = 7 : i64, tpu.core_type = #tpu.core_type<sc_vector_subcore>, window_params = [{transform_indices = #map}, {transform_indices = #map1}, {transform_indices = #map2}, {transform_indices = #map}, {transform_indices = #map2}]} {
    %mul3A = arith.constant 2 : i32
    %mul3A_0 = arith.muli %arg1, %mul3A : i32
    %add3A = arith.addi %mul3A_0, %arg0 : i32
    %mul3A_1 = arith.constant 624 : i32
    %mul3A_2 = arith.muli %arg1, %mul3A_1 : i32
    %mul3A_3 = arith.constant 624 : i32
    %mul3A_4 = arith.muli %arg1, %mul3A_3 : i32
    "tpu.region"() ({
      %run_scoped3A_32 = tpu.sem_alloc : memref<!tpu.dma_semaphore, #tpu.memory_space<semaphore_mem>>
      %dma_start3A_33 = arith.constant 0 : i32
      %dma_start3A_34 = tpu.memref_slice %arg11[%mul3A_4, %dma_start3A_33] : memref<10000x128xf32, #tpu.memory_space<vmem_shared>> -> memref<624x128xf32, #tpu.memory_space<vmem_shared>>
      %dma_start3A_35 = arith.constant 0 : i32
      %dma_start3A_36 = tpu.memref_slice %arg5[%mul3A_2, %dma_start3A_35] : memref<10000x128xf32, #tpu.memory_space<hbm>> -> memref<624x128xf32, #tpu.memory_space<hbm>>
      tpu.enqueue_dma source(%dma_start3A_36 : memref<624x128xf32, #tpu.memory_space<hbm>>) target(%dma_start3A_34 : memref<624x128xf32, #tpu.memory_space<vmem_shared>>) target_semaphore(%run_scoped3A_32 : memref<!tpu.dma_semaphore, #tpu.memory_space<semaphore_mem>>)
      %dma_wait3A_37 = arith.constant 0 : i32
      %dma_wait3A_38 = tpu.memref_slice %arg11[%mul3A_4, %dma_wait3A_37] : memref<10000x128xf32, #tpu.memory_space<vmem_shared>> -> memref<624x128xf32, #tpu.memory_space<vmem_shared>>
      %dma_wait3A_39 = arith.constant 0 : i32
      %dma_wait3A_40 = tpu.memref_slice %arg5[%mul3A_2, %dma_wait3A_39] : memref<10000x128xf32, #tpu.memory_space<hbm>> -> memref<624x128xf32, #tpu.memory_space<hbm>>
      tpu.wait_dma2 semaphore(%run_scoped3A_32 : memref<!tpu.dma_semaphore, #tpu.memory_space<semaphore_mem>>) src(%dma_wait3A_40 : memref<624x128xf32, #tpu.memory_space<hbm>>) dst(%dma_wait3A_38 : memref<624x128xf32, #tpu.memory_space<vmem_shared>>)
      tpu.yield
    }) : () -> ()
    %eq3A = arith.constant 0 : i32
    %eq3A_5 = arith.cmpi eq, %arg1, %eq3A : i32
    %convert_element_type3A = arith.extui %eq3A_5 : i1 to i32
    %cond3A = arith.constant 0 : i32
    %cond3A_6 = arith.cmpi ne, %convert_element_type3A, %cond3A : i32
    scf.if %cond3A_6 {
      "tpu.region"() ({
        %run_scoped3A_32 = tpu.sem_alloc : memref<!tpu.dma_semaphore, #tpu.memory_space<semaphore_mem>>
        %dma_start3A_33 = arith.constant 9984 : i32
        %dma_start3A_34 = arith.constant 0 : i32
        %dma_start3A_35 = tpu.memref_slice %arg11[%dma_start3A_33, %dma_start3A_34] : memref<10000x128xf32, #tpu.memory_space<vmem_shared>> -> memref<16x128xf32, #tpu.memory_space<vmem_shared>>
        %dma_start3A_36 = arith.constant 9984 : i32
        %dma_start3A_37 = arith.constant 0 : i32
        %dma_start3A_38 = tpu.memref_slice %arg5[%dma_start3A_36, %dma_start3A_37] : memref<10000x128xf32, #tpu.memory_space<hbm>> -> memref<16x128xf32, #tpu.memory_space<hbm>>
        tpu.enqueue_dma source(%dma_start3A_38 : memref<16x128xf32, #tpu.memory_space<hbm>>) target(%dma_start3A_35 : memref<16x128xf32, #tpu.memory_space<vmem_shared>>) target_semaphore(%run_scoped3A_32 : memref<!tpu.dma_semaphore, #tpu.memory_space<semaphore_mem>>)
        %dma_wait3A_39 = arith.constant 9984 : i32
        %dma_wait3A_40 = arith.constant 0 : i32
        %dma_wait3A_41 = tpu.memref_slice %arg11[%dma_wait3A_39, %dma_wait3A_40] : memref<10000x128xf32, #tpu.memory_space<vmem_shared>> -> memref<16x128xf32, #tpu.memory_space<vmem_shared>>
        %dma_wait3A_42 = arith.constant 9984 : i32
        %dma_wait3A_43 = arith.constant 0 : i32
        %dma_wait3A_44 = tpu.memref_slice %arg5[%dma_wait3A_42, %dma_wait3A_43] : memref<10000x128xf32, #tpu.memory_space<hbm>> -> memref<16x128xf32, #tpu.memory_space<hbm>>
        tpu.wait_dma2 semaphore(%run_scoped3A_32 : memref<!tpu.dma_semaphore, #tpu.memory_space<semaphore_mem>>) src(%dma_wait3A_44 : memref<16x128xf32, #tpu.memory_space<hbm>>) dst(%dma_wait3A_41 : memref<16x128xf32, #tpu.memory_space<vmem_shared>>)
        tpu.yield
      }) : () -> ()
    } else {
    }
    %mul3A_7 = arith.constant 10000 : i32
    %mul3A_8 = arith.muli %add3A, %mul3A_7 : i32
    "tpu.region"() ({
      %run_scoped3A_32 = tpu.sem_alloc : memref<!tpu.dma_semaphore, #tpu.memory_space<semaphore_mem>>
      %dma_start3A_33 = tpu.memref_slice %arg3[%mul3A_8] : memref<320000xi32, #tpu.memory_space<hbm>> -> memref<10000xi32, #tpu.memory_space<hbm>>
      %dma_start3A_34 = tpu.memref_slice %arg3[%mul3A_8] : memref<320000xi32, #tpu.memory_space<hbm>> -> memref<10000xi32, #tpu.memory_space<hbm>>
      tpu.enqueue_dma source(%dma_start3A_34 : memref<10000xi32, #tpu.memory_space<hbm>>) target(%arg7 : memref<10000xi32, #tpu.memory_space<vmem>>) target_semaphore(%run_scoped3A_32 : memref<!tpu.dma_semaphore, #tpu.memory_space<semaphore_mem>>)
      %dma_wait3A_35 = tpu.memref_slice %arg3[%mul3A_8] : memref<320000xi32, #tpu.memory_space<hbm>> -> memref<10000xi32, #tpu.memory_space<hbm>>
      %dma_wait3A_36 = tpu.memref_slice %arg3[%mul3A_8] : memref<320000xi32, #tpu.memory_space<hbm>> -> memref<10000xi32, #tpu.memory_space<hbm>>
      tpu.wait_dma2 semaphore(%run_scoped3A_32 : memref<!tpu.dma_semaphore, #tpu.memory_space<semaphore_mem>>) src(%dma_wait3A_36 : memref<10000xi32, #tpu.memory_space<hbm>>) dst(%arg7 : memref<10000xi32, #tpu.memory_space<vmem>>)
      tpu.yield
    }) : () -> ()
    "tpu.region"() ({
      %run_scoped3A_32 = tpu.sem_alloc : memref<!tpu.dma_semaphore, #tpu.memory_space<semaphore_mem>>
      %dma_start3A_33 = arith.constant 0 : i32
      %dma_start3A_34 = arith.constant 0 : i32
      %dma_start3A_35 = tpu.memref_slice %arg4[%add3A, %dma_start3A_33, %dma_start3A_34] : memref<32x125x80xi32, #tpu.memory_space<hbm>> -> memref<1x125x80xi32, #tpu.memory_space<hbm>>
      %dma_start3A_36 = tpu.memref_squeeze %dma_start3A_35 : memref<1x125x80xi32, #tpu.memory_space<hbm>> -> memref<125x80xi32, #tpu.memory_space<hbm>>
      %dma_start3A_37 = arith.constant 0 : i32
      %dma_start3A_38 = arith.constant 0 : i32
      %dma_start3A_39 = tpu.memref_slice %arg4[%add3A, %dma_start3A_37, %dma_start3A_38] : memref<32x125x80xi32, #tpu.memory_space<hbm>> -> memref<1x125x80xi32, #tpu.memory_space<hbm>>
      %dma_start3A_40 = tpu.memref_squeeze %dma_start3A_39 : memref<1x125x80xi32, #tpu.memory_space<hbm>> -> memref<125x80xi32, #tpu.memory_space<hbm>>
      tpu.enqueue_dma source(%dma_start3A_40 : memref<125x80xi32, #tpu.memory_space<hbm>>) target(%arg8 : memref<125x80xi32, #tpu.memory_space<vmem>>) target_semaphore(%run_scoped3A_32 : memref<!tpu.dma_semaphore, #tpu.memory_space<semaphore_mem>>)
      %dma_wait3A_41 = arith.constant 0 : i32
      %dma_wait3A_42 = arith.constant 0 : i32
      %dma_wait3A_43 = tpu.memref_slice %arg4[%add3A, %dma_wait3A_41, %dma_wait3A_42] : memref<32x125x80xi32, #tpu.memory_space<hbm>> -> memref<1x125x80xi32, #tpu.memory_space<hbm>>
      %dma_wait3A_44 = tpu.memref_squeeze %dma_wait3A_43 : memref<1x125x80xi32, #tpu.memory_space<hbm>> -> memref<125x80xi32, #tpu.memory_space<hbm>>
      %dma_wait3A_45 = arith.constant 0 : i32
      %dma_wait3A_46 = arith.constant 0 : i32
      %dma_wait3A_47 = tpu.memref_slice %arg4[%add3A, %dma_wait3A_45, %dma_wait3A_46] : memref<32x125x80xi32, #tpu.memory_space<hbm>> -> memref<1x125x80xi32, #tpu.memory_space<hbm>>
      %dma_wait3A_48 = tpu.memref_squeeze %dma_wait3A_47 : memref<1x125x80xi32, #tpu.memory_space<hbm>> -> memref<125x80xi32, #tpu.memory_space<hbm>>
      tpu.wait_dma2 semaphore(%run_scoped3A_32 : memref<!tpu.dma_semaphore, #tpu.memory_space<semaphore_mem>>) src(%dma_wait3A_48 : memref<125x80xi32, #tpu.memory_space<hbm>>) dst(%arg8 : memref<125x80xi32, #tpu.memory_space<vmem>>)
      tpu.yield
    }) : () -> ()
    %barrier3A = arith.constant 0 : index
    tpu.barrier barrier_id(%barrier3A)
    %dma_start3A = arith.constant 0 : i32
    %dma_start3A_9 = tpu.memref_slice %arg7[%dma_start3A] : memref<10000xi32, #tpu.memory_space<vmem>> -> memref<80xi32, #tpu.memory_space<vmem>>
    %dma_start3A_10 = arith.constant 0 : i32
    %dma_start3A_11 = arith.constant 0 : i32
    %dma_start3A_12 = tpu.memref_slice %arg2[%dma_start3A_10, %dma_start3A_11] : memref<80000x128xf32, #tpu.memory_space<hbm>> -> memref<80000x128xf32, #tpu.memory_space<hbm>>
    tpu.enqueue_indirect_dma source(%dma_start3A_12 : memref<80000x128xf32, #tpu.memory_space<hbm>>) target(%arg9 : memref<80x128xf32, #tpu.memory_space<vmem>>) offsets(%dma_start3A_9 : memref<80xi32, #tpu.memory_space<vmem>>) semaphore(%arg12 : memref<!tpu.dma_semaphore, #tpu.memory_space<semaphore_mem>>)
    %scan3A = arith.constant 0 : i32
    %scan3A_13 = arith.constant 0 : i32
    %scan3A_14 = arith.constant 62 : i32
    %scan3A_15 = arith.addi %scan3A_13, %scan3A_14 : i32
    %scan3A_16 = arith.constant 1 : i32
    scf.for %scan3A_32 = %scan3A_13 to %scan3A_15 step %scan3A_16  : i32 {
      %mul3A_33 = arith.constant 2 : i32
      %mul3A_34 = arith.muli %mul3A_33, %scan3A_32 : i32
      %add3A_35 = arith.constant 1 : i32
      %add3A_36 = arith.addi %mul3A_34, %add3A_35 : i32
      %mul3A_37 = arith.constant 80 : i32
      %mul3A_38 = arith.muli %add3A_36, %mul3A_37 : i32
      %dma_start3A_39 = tpu.memref_slice %arg7[%mul3A_38] : memref<10000xi32, #tpu.memory_space<vmem>> -> memref<80xi32, #tpu.memory_space<vmem>>
      %dma_start3A_40 = arith.constant 0 : i32
      %dma_start3A_41 = arith.constant 0 : i32
      %dma_start3A_42 = tpu.memref_slice %arg2[%dma_start3A_40, %dma_start3A_41] : memref<80000x128xf32, #tpu.memory_space<hbm>> -> memref<80000x128xf32, #tpu.memory_space<hbm>>
      tpu.enqueue_indirect_dma source(%dma_start3A_42 : memref<80000x128xf32, #tpu.memory_space<hbm>>) target(%arg10 : memref<80x128xf32, #tpu.memory_space<vmem>>) offsets(%dma_start3A_39 : memref<80xi32, #tpu.memory_space<vmem>>) semaphore(%arg13 : memref<!tpu.dma_semaphore, #tpu.memory_space<semaphore_mem>>)
      %mul3A_43 = arith.constant 80 : i32
      %mul3A_44 = arith.muli %mul3A_34, %mul3A_43 : i32
      %dma_wait3A_45 = tpu.memref_slice %arg7[%mul3A_44] : memref<10000xi32, #tpu.memory_space<vmem>> -> memref<80xi32, #tpu.memory_space<vmem>>
      %dma_wait3A_46 = arith.constant 0 : i32
      %dma_wait3A_47 = arith.constant 0 : i32
      %dma_wait3A_48 = tpu.memref_slice %arg2[%dma_wait3A_46, %dma_wait3A_47] : memref<80000x128xf32, #tpu.memory_space<hbm>> -> memref<80000x128xf32, #tpu.memory_space<hbm>>
      tpu.wait_indirect_dma semaphore(%arg12 : memref<!tpu.dma_semaphore, #tpu.memory_space<semaphore_mem>>) src(%dma_wait3A_48 : memref<80000x128xf32, #tpu.memory_space<hbm>>) dst(%arg9 : memref<80x128xf32, #tpu.memory_space<vmem>>)
      "tpu.region"() ({
        %run_scoped3A_63 = tpu.sem_alloc : memref<!tpu.dma_semaphore, #tpu.memory_space<semaphore_mem>>
        %dma_start3A_64 = arith.constant 0 : i32
        %dma_start3A_65 = tpu.memref_slice %arg8[%mul3A_34, %dma_start3A_64] : memref<125x80xi32, #tpu.memory_space<vmem>> -> memref<1x80xi32, #tpu.memory_space<vmem>>
        %dma_start3A_66 = tpu.memref_squeeze %dma_start3A_65 : memref<1x80xi32, #tpu.memory_space<vmem>> -> memref<80xi32, #tpu.memory_space<vmem>>
        %dma_start3A_67 = arith.constant 0 : i32
        %dma_start3A_68 = arith.constant 0 : i32
        %dma_start3A_69 = tpu.memref_slice %arg11[%dma_start3A_67, %dma_start3A_68] : memref<10000x128xf32, #tpu.memory_space<vmem_shared>> -> memref<10000x128xf32, #tpu.memory_space<vmem_shared>>
        tpu.enqueue_indirect_dma source(%arg9 : memref<80x128xf32, #tpu.memory_space<vmem>>) target(%dma_start3A_69 : memref<10000x128xf32, #tpu.memory_space<vmem_shared>>) offsets(%dma_start3A_66 : memref<80xi32, #tpu.memory_space<vmem>>) semaphore(%run_scoped3A_63 : memref<!tpu.dma_semaphore, #tpu.memory_space<semaphore_mem>>) {add = true}
        %dma_wait3A_70 = arith.constant 0 : i32
        %dma_wait3A_71 = tpu.memref_slice %arg8[%mul3A_34, %dma_wait3A_70] : memref<125x80xi32, #tpu.memory_space<vmem>> -> memref<1x80xi32, #tpu.memory_space<vmem>>
        %dma_wait3A_72 = tpu.memref_squeeze %dma_wait3A_71 : memref<1x80xi32, #tpu.memory_space<vmem>> -> memref<80xi32, #tpu.memory_space<vmem>>
        %dma_wait3A_73 = arith.constant 0 : i32
        %dma_wait3A_74 = arith.constant 0 : i32
        %dma_wait3A_75 = tpu.memref_slice %arg11[%dma_wait3A_73, %dma_wait3A_74] : memref<10000x128xf32, #tpu.memory_space<vmem_shared>> -> memref<10000x128xf32, #tpu.memory_space<vmem_shared>>
        tpu.wait_indirect_dma semaphore(%run_scoped3A_63 : memref<!tpu.dma_semaphore, #tpu.memory_space<semaphore_mem>>) src(%arg9 : memref<80x128xf32, #tpu.memory_space<vmem>>) dst(%dma_wait3A_75 : memref<10000x128xf32, #tpu.memory_space<vmem_shared>>)
        tpu.yield
      }) : () -> ()
      %add3A_49 = arith.constant 2 : i32
      %add3A_50 = arith.addi %mul3A_34, %add3A_49 : i32
      %lt3A = arith.constant 125 : i32
      %lt3A_51 = arith.cmpi slt, %add3A_50, %lt3A : i32
      %convert_element_type3A_52 = arith.extui %lt3A_51 : i1 to i32
      %cond3A_53 = arith.constant 0 : i32
      %cond3A_54 = arith.cmpi ne, %convert_element_type3A_52, %cond3A_53 : i32
      scf.if %cond3A_54 {
        %add3A_63 = arith.constant 2 : i32
        %add3A_64 = arith.addi %mul3A_34, %add3A_63 : i32
        %mul3A_65 = arith.constant 80 : i32
        %mul3A_66 = arith.muli %add3A_64, %mul3A_65 : i32
        %dma_start3A_67 = tpu.memref_slice %arg7[%mul3A_66] : memref<10000xi32, #tpu.memory_space<vmem>> -> memref<80xi32, #tpu.memory_space<vmem>>
        %dma_start3A_68 = arith.constant 0 : i32
        %dma_start3A_69 = arith.constant 0 : i32
        %dma_start3A_70 = tpu.memref_slice %arg2[%dma_start3A_68, %dma_start3A_69] : memref<80000x128xf32, #tpu.memory_space<hbm>> -> memref<80000x128xf32, #tpu.memory_space<hbm>>
        tpu.enqueue_indirect_dma source(%dma_start3A_70 : memref<80000x128xf32, #tpu.memory_space<hbm>>) target(%arg9 : memref<80x128xf32, #tpu.memory_space<vmem>>) offsets(%dma_start3A_67 : memref<80xi32, #tpu.memory_space<vmem>>) semaphore(%arg12 : memref<!tpu.dma_semaphore, #tpu.memory_space<semaphore_mem>>)
      } else {
      }
      %add3A_55 = arith.constant 1 : i32
      %add3A_56 = arith.addi %mul3A_34, %add3A_55 : i32
      %mul3A_57 = arith.constant 80 : i32
      %mul3A_58 = arith.muli %add3A_56, %mul3A_57 : i32
      %dma_wait3A_59 = tpu.memref_slice %arg7[%mul3A_58] : memref<10000xi32, #tpu.memory_space<vmem>> -> memref<80xi32, #tpu.memory_space<vmem>>
      %dma_wait3A_60 = arith.constant 0 : i32
      %dma_wait3A_61 = arith.constant 0 : i32
      %dma_wait3A_62 = tpu.memref_slice %arg2[%dma_wait3A_60, %dma_wait3A_61] : memref<80000x128xf32, #tpu.memory_space<hbm>> -> memref<80000x128xf32, #tpu.memory_space<hbm>>
      tpu.wait_indirect_dma semaphore(%arg13 : memref<!tpu.dma_semaphore, #tpu.memory_space<semaphore_mem>>) src(%dma_wait3A_62 : memref<80000x128xf32, #tpu.memory_space<hbm>>) dst(%arg10 : memref<80x128xf32, #tpu.memory_space<vmem>>)
      "tpu.region"() ({
        %run_scoped3A_63 = tpu.sem_alloc : memref<!tpu.dma_semaphore, #tpu.memory_space<semaphore_mem>>
        %dma_start3A_64 = arith.constant 0 : i32
        %dma_start3A_65 = tpu.memref_slice %arg8[%add3A_56, %dma_start3A_64] : memref<125x80xi32, #tpu.memory_space<vmem>> -> memref<1x80xi32, #tpu.memory_space<vmem>>
        %dma_start3A_66 = tpu.memref_squeeze %dma_start3A_65 : memref<1x80xi32, #tpu.memory_space<vmem>> -> memref<80xi32, #tpu.memory_space<vmem>>
        %dma_start3A_67 = arith.constant 0 : i32
        %dma_start3A_68 = arith.constant 0 : i32
        %dma_start3A_69 = tpu.memref_slice %arg11[%dma_start3A_67, %dma_start3A_68] : memref<10000x128xf32, #tpu.memory_space<vmem_shared>> -> memref<10000x128xf32, #tpu.memory_space<vmem_shared>>
        tpu.enqueue_indirect_dma source(%arg10 : memref<80x128xf32, #tpu.memory_space<vmem>>) target(%dma_start3A_69 : memref<10000x128xf32, #tpu.memory_space<vmem_shared>>) offsets(%dma_start3A_66 : memref<80xi32, #tpu.memory_space<vmem>>) semaphore(%run_scoped3A_63 : memref<!tpu.dma_semaphore, #tpu.memory_space<semaphore_mem>>) {add = true}
        %dma_wait3A_70 = arith.constant 0 : i32
        %dma_wait3A_71 = tpu.memref_slice %arg8[%add3A_56, %dma_wait3A_70] : memref<125x80xi32, #tpu.memory_space<vmem>> -> memref<1x80xi32, #tpu.memory_space<vmem>>
        %dma_wait3A_72 = tpu.memref_squeeze %dma_wait3A_71 : memref<1x80xi32, #tpu.memory_space<vmem>> -> memref<80xi32, #tpu.memory_space<vmem>>
        %dma_wait3A_73 = arith.constant 0 : i32
        %dma_wait3A_74 = arith.constant 0 : i32
        %dma_wait3A_75 = tpu.memref_slice %arg11[%dma_wait3A_73, %dma_wait3A_74] : memref<10000x128xf32, #tpu.memory_space<vmem_shared>> -> memref<10000x128xf32, #tpu.memory_space<vmem_shared>>
        tpu.wait_indirect_dma semaphore(%run_scoped3A_63 : memref<!tpu.dma_semaphore, #tpu.memory_space<semaphore_mem>>) src(%arg10 : memref<80x128xf32, #tpu.memory_space<vmem>>) dst(%dma_wait3A_75 : memref<10000x128xf32, #tpu.memory_space<vmem_shared>>)
        tpu.yield
      }) : () -> ()
    }
    %scan3A_17 = arith.constant 62 : i32
    %dma_wait3A = arith.constant 9920 : i32
    %dma_wait3A_18 = tpu.memref_slice %arg7[%dma_wait3A] : memref<10000xi32, #tpu.memory_space<vmem>> -> memref<80xi32, #tpu.memory_space<vmem>>
    %dma_wait3A_19 = arith.constant 0 : i32
    %dma_wait3A_20 = arith.constant 0 : i32
    %dma_wait3A_21 = tpu.memref_slice %arg2[%dma_wait3A_19, %dma_wait3A_20] : memref<80000x128xf32, #tpu.memory_space<hbm>> -> memref<80000x128xf32, #tpu.memory_space<hbm>>
    tpu.wait_indirect_dma semaphore(%arg12 : memref<!tpu.dma_semaphore, #tpu.memory_space<semaphore_mem>>) src(%dma_wait3A_21 : memref<80000x128xf32, #tpu.memory_space<hbm>>) dst(%arg9 : memref<80x128xf32, #tpu.memory_space<vmem>>)
    %run_scoped3A = arith.constant 124 : i32
    "tpu.region"() ({
      %run_scoped3A_32 = tpu.sem_alloc : memref<!tpu.dma_semaphore, #tpu.memory_space<semaphore_mem>>
      %dma_start3A_33 = arith.constant 0 : i32
      %dma_start3A_34 = tpu.memref_slice %arg8[%run_scoped3A, %dma_start3A_33] : memref<125x80xi32, #tpu.memory_space<vmem>> -> memref<1x80xi32, #tpu.memory_space<vmem>>
      %dma_start3A_35 = tpu.memref_squeeze %dma_start3A_34 : memref<1x80xi32, #tpu.memory_space<vmem>> -> memref<80xi32, #tpu.memory_space<vmem>>
      %dma_start3A_36 = arith.constant 0 : i32
      %dma_start3A_37 = arith.constant 0 : i32
      %dma_start3A_38 = tpu.memref_slice %arg11[%dma_start3A_36, %dma_start3A_37] : memref<10000x128xf32, #tpu.memory_space<vmem_shared>> -> memref<10000x128xf32, #tpu.memory_space<vmem_shared>>
      tpu.enqueue_indirect_dma source(%arg9 : memref<80x128xf32, #tpu.memory_space<vmem>>) target(%dma_start3A_38 : memref<10000x128xf32, #tpu.memory_space<vmem_shared>>) offsets(%dma_start3A_35 : memref<80xi32, #tpu.memory_space<vmem>>) semaphore(%run_scoped3A_32 : memref<!tpu.dma_semaphore, #tpu.memory_space<semaphore_mem>>) {add = true}
      %dma_wait3A_39 = arith.constant 0 : i32
      %dma_wait3A_40 = tpu.memref_slice %arg8[%run_scoped3A, %dma_wait3A_39] : memref<125x80xi32, #tpu.memory_space<vmem>> -> memref<1x80xi32, #tpu.memory_space<vmem>>
      %dma_wait3A_41 = tpu.memref_squeeze %dma_wait3A_40 : memref<1x80xi32, #tpu.memory_space<vmem>> -> memref<80xi32, #tpu.memory_space<vmem>>
      %dma_wait3A_42 = arith.constant 0 : i32
      %dma_wait3A_43 = arith.constant 0 : i32
      %dma_wait3A_44 = tpu.memref_slice %arg11[%dma_wait3A_42, %dma_wait3A_43] : memref<10000x128xf32, #tpu.memory_space<vmem_shared>> -> memref<10000x128xf32, #tpu.memory_space<vmem_shared>>
      tpu.wait_indirect_dma semaphore(%run_scoped3A_32 : memref<!tpu.dma_semaphore, #tpu.memory_space<semaphore_mem>>) src(%arg9 : memref<80x128xf32, #tpu.memory_space<vmem>>) dst(%dma_wait3A_44 : memref<10000x128xf32, #tpu.memory_space<vmem_shared>>)
      tpu.yield
    }) : () -> ()
    %barrier3A_22 = arith.constant 0 : index
    tpu.barrier barrier_id(%barrier3A_22)
    %mul3A_23 = arith.constant 624 : i32
    %mul3A_24 = arith.muli %arg1, %mul3A_23 : i32
    %mul3A_25 = arith.constant 624 : i32
    %mul3A_26 = arith.muli %arg1, %mul3A_25 : i32
    "tpu.region"() ({
      %run_scoped3A_32 = tpu.sem_alloc : memref<!tpu.dma_semaphore, #tpu.memory_space<semaphore_mem>>
      %dma_start3A_33 = arith.constant 0 : i32
      %dma_start3A_34 = tpu.memref_slice %arg6[%arg0, %mul3A_26, %dma_start3A_33] : memref<2x10000x128xf32, #tpu.memory_space<hbm>> -> memref<1x624x128xf32, #tpu.memory_space<hbm>>
      %dma_start3A_35 = tpu.memref_squeeze %dma_start3A_34 : memref<1x624x128xf32, #tpu.memory_space<hbm>> -> memref<624x128xf32, #tpu.memory_space<hbm>>
      %dma_start3A_36 = arith.constant 0 : i32
      %dma_start3A_37 = tpu.memref_slice %arg11[%mul3A_24, %dma_start3A_36] : memref<10000x128xf32, #tpu.memory_space<vmem_shared>> -> memref<624x128xf32, #tpu.memory_space<vmem_shared>>
      tpu.enqueue_dma source(%dma_start3A_37 : memref<624x128xf32, #tpu.memory_space<vmem_shared>>) target(%dma_start3A_35 : memref<624x128xf32, #tpu.memory_space<hbm>>) target_semaphore(%run_scoped3A_32 : memref<!tpu.dma_semaphore, #tpu.memory_space<semaphore_mem>>)
      %dma_wait3A_38 = arith.constant 0 : i32
      %dma_wait3A_39 = tpu.memref_slice %arg6[%arg0, %mul3A_26, %dma_wait3A_38] : memref<2x10000x128xf32, #tpu.memory_space<hbm>> -> memref<1x624x128xf32, #tpu.memory_space<hbm>>
      %dma_wait3A_40 = tpu.memref_squeeze %dma_wait3A_39 : memref<1x624x128xf32, #tpu.memory_space<hbm>> -> memref<624x128xf32, #tpu.memory_space<hbm>>
      %dma_wait3A_41 = arith.constant 0 : i32
      %dma_wait3A_42 = tpu.memref_slice %arg11[%mul3A_24, %dma_wait3A_41] : memref<10000x128xf32, #tpu.memory_space<vmem_shared>> -> memref<624x128xf32, #tpu.memory_space<vmem_shared>>
      tpu.wait_dma2 semaphore(%run_scoped3A_32 : memref<!tpu.dma_semaphore, #tpu.memory_space<semaphore_mem>>) src(%dma_wait3A_42 : memref<624x128xf32, #tpu.memory_space<vmem_shared>>) dst(%dma_wait3A_40 : memref<624x128xf32, #tpu.memory_space<hbm>>)
      tpu.yield
    }) : () -> ()
    %eq3A_27 = arith.constant 0 : i32
    %eq3A_28 = arith.cmpi eq, %arg1, %eq3A_27 : i32
    %convert_element_type3A_29 = arith.extui %eq3A_28 : i1 to i32
    %cond3A_30 = arith.constant 0 : i32
    %cond3A_31 = arith.cmpi ne, %convert_element_type3A_29, %cond3A_30 : i32
    scf.if %cond3A_31 {
      "tpu.region"() ({
        %run_scoped3A_32 = tpu.sem_alloc : memref<!tpu.dma_semaphore, #tpu.memory_space<semaphore_mem>>
        %dma_start3A_33 = arith.constant 9984 : i32
        %dma_start3A_34 = arith.constant 0 : i32
        %dma_start3A_35 = tpu.memref_slice %arg6[%arg0, %dma_start3A_33, %dma_start3A_34] : memref<2x10000x128xf32, #tpu.memory_space<hbm>> -> memref<1x16x128xf32, #tpu.memory_space<hbm>>
        %dma_start3A_36 = tpu.memref_squeeze %dma_start3A_35 : memref<1x16x128xf32, #tpu.memory_space<hbm>> -> memref<16x128xf32, #tpu.memory_space<hbm>>
        %dma_start3A_37 = arith.constant 9984 : i32
        %dma_start3A_38 = arith.constant 0 : i32
        %dma_start3A_39 = tpu.memref_slice %arg11[%dma_start3A_37, %dma_start3A_38] : memref<10000x128xf32, #tpu.memory_space<vmem_shared>> -> memref<16x128xf32, #tpu.memory_space<vmem_shared>>
        tpu.enqueue_dma source(%dma_start3A_39 : memref<16x128xf32, #tpu.memory_space<vmem_shared>>) target(%dma_start3A_36 : memref<16x128xf32, #tpu.memory_space<hbm>>) target_semaphore(%run_scoped3A_32 : memref<!tpu.dma_semaphore, #tpu.memory_space<semaphore_mem>>)
        %dma_wait3A_40 = arith.constant 9984 : i32
        %dma_wait3A_41 = arith.constant 0 : i32
        %dma_wait3A_42 = tpu.memref_slice %arg6[%arg0, %dma_wait3A_40, %dma_wait3A_41] : memref<2x10000x128xf32, #tpu.memory_space<hbm>> -> memref<1x16x128xf32, #tpu.memory_space<hbm>>
        %dma_wait3A_43 = tpu.memref_squeeze %dma_wait3A_42 : memref<1x16x128xf32, #tpu.memory_space<hbm>> -> memref<16x128xf32, #tpu.memory_space<hbm>>
        %dma_wait3A_44 = arith.constant 9984 : i32
        %dma_wait3A_45 = arith.constant 0 : i32
        %dma_wait3A_46 = tpu.memref_slice %arg11[%dma_wait3A_44, %dma_wait3A_45] : memref<10000x128xf32, #tpu.memory_space<vmem_shared>> -> memref<16x128xf32, #tpu.memory_space<vmem_shared>>
        tpu.wait_dma2 semaphore(%run_scoped3A_32 : memref<!tpu.dma_semaphore, #tpu.memory_space<semaphore_mem>>) src(%dma_wait3A_46 : memref<16x128xf32, #tpu.memory_space<vmem_shared>>) dst(%dma_wait3A_43 : memref<16x128xf32, #tpu.memory_space<hbm>>)
        tpu.yield
      }) : () -> ()
    } else {
    }
    return
  }
}

module attributes {stable_mosaic.version = 14 : i64} {
  func.func @_tables_body(%arg0: i32, %arg1: memref<1000x128xf32, #tpu.memory_space<vmem>>, %arg2: memref<4x128x128xf32, #tpu.memory_space<vmem>>, %arg3: memref<8x4xf32, #tpu.memory_space<vmem>>, %arg4: memref<128x128xf32, #tpu.memory_space<vmem>>, %arg5: memref<128xf32, #tpu.memory_space<vmem>>, %arg6: memref<8x1000x128xf32, #tpu.memory_space<vmem>>, %arg7: memref<1000x128xf32, #tpu.memory_space<vmem>>) attributes {dimension_semantics = [#tpu.dimension_semantics<arbitrary>], iteration_bounds = array<i64: 10>, scalar_prefetch = 0 : i64, scratch_operands = 0 : i64, tpu.core_type = #tpu.core_type<tc>, window_params = [{transform_indices = @transform_0, window_bounds = array<i64: 1000, 128>}, {pipeline_mode = #tpu.pipeline_mode<synchronous>, transform_indices = @transform_1, window_bounds = array<i64: 4, 128, 128>}, {pipeline_mode = #tpu.pipeline_mode<synchronous>, transform_indices = @transform_2, window_bounds = array<i64: 8, 4>}, {pipeline_mode = #tpu.pipeline_mode<synchronous>, transform_indices = @transform_3, window_bounds = array<i64: 128, 128>}, {pipeline_mode = #tpu.pipeline_mode<synchronous>, transform_indices = @transform_4, window_bounds = array<i64: 128>}, {transform_indices = @transform_5, window_bounds = array<i64: 8, 1000, 128>}, {transform_indices = @transform_6, window_bounds = array<i64: 1000, 128>}]} {
    %get3A = arith.constant 0 : index
    %get3A_0 = arith.constant 0 : index
    %get3A_1 = arith.constant 0 : index
    %get3A_2 = vector.load %arg2[%get3A, %get3A_0, %get3A_1] : memref<4x128x128xf32, #tpu.memory_space<vmem>>, vector<4x128x128xf32>
    %reshape3A = vector.shape_cast %get3A_2 : vector<4x128x128xf32> to vector<4x16384xf32>
    %get3A_3 = arith.constant 0 : index
    %get3A_4 = arith.constant 0 : index
    %get3A_5 = vector.load %arg3[%get3A_3, %get3A_4] : memref<8x4xf32, #tpu.memory_space<vmem>>, vector<8x4xf32>
    %dot_general3A = arith.constant dense<0.000000e+00> : vector<8x16384xf32>
    %dot_general3A_6 = tpu.matmul %get3A_5, %reshape3A, %dot_general3A {dimension_numbers = #tpu.dot_dimension_numbers<[1], [0], [0], [1], [0, 0, 1, 1], [], []>, transpose_lhs_hint = false} : vector<8x4xf32>, vector<4x16384xf32>, vector<8x16384xf32> -> vector<8x16384xf32>
    %reshape3A_7 = vector.shape_cast %dot_general3A_6 : vector<8x16384xf32> to vector<8x128x128xf32>
    %get3A_8 = arith.constant 0 : index
    %get3A_9 = arith.constant 0 : index
    %get3A_10 = vector.load %arg1[%get3A_8, %get3A_9] : memref<1000x128xf32, #tpu.memory_space<vmem>>, vector<1000x128xf32>
    %slice3A = vector.extract_strided_slice %reshape3A_7 {offsets = [0, 0, 0], sizes = [1, 128, 128], strides = [1, 1, 1]} : vector<8x128x128xf32> to vector<1x128x128xf32>
    %squeeze3A = vector.shape_cast %slice3A : vector<1x128x128xf32> to vector<128x128xf32>
    %dot_general3A_11 = arith.constant dense<0.000000e+00> : vector<1000x128xf32>
    %dot_general3A_12 = tpu.matmul %get3A_10, %squeeze3A, %dot_general3A_11 {dimension_numbers = #tpu.dot_dimension_numbers<[1], [0], [0], [1], [0, 0, 1, 1], [], []>, transpose_lhs_hint = false} : vector<1000x128xf32>, vector<128x128xf32>, vector<1000x128xf32> -> vector<1000x128xf32>
    %swap3A = arith.constant 0 : index
    %swap3A_13 = arith.constant 0 : index
    %swap3A_14 = arith.constant 0 : index
    %swap3A_15 = vector.load %arg6[%swap3A, %swap3A_13, %swap3A_14] : memref<8x1000x128xf32, #tpu.memory_space<vmem>>, vector<1x1000x128xf32>
    %swap3A_16 = vector.shape_cast %swap3A_15 : vector<1x1000x128xf32> to vector<1000x128xf32>
    %swap3A_17 = vector.shape_cast %dot_general3A_12 : vector<1000x128xf32> to vector<1x1000x128xf32>
    tpu.vector_store %arg6[%swap3A, %swap3A_13, %swap3A_14], %swap3A_17 {strides = array<i32>} : memref<8x1000x128xf32, #tpu.memory_space<vmem>>, vector<1x1000x128xf32>,
    %slice3A_18 = vector.extract_strided_slice %reshape3A_7 {offsets = [1, 0, 0], sizes = [1, 128, 128], strides = [1, 1, 1]} : vector<8x128x128xf32> to vector<1x128x128xf32>
    %squeeze3A_19 = vector.shape_cast %slice3A_18 : vector<1x128x128xf32> to vector<128x128xf32>
    %dot_general3A_20 = arith.constant dense<0.000000e+00> : vector<1000x128xf32>
    %dot_general3A_21 = tpu.matmul %get3A_10, %squeeze3A_19, %dot_general3A_20 {dimension_numbers = #tpu.dot_dimension_numbers<[1], [0], [0], [1], [0, 0, 1, 1], [], []>, transpose_lhs_hint = false} : vector<1000x128xf32>, vector<128x128xf32>, vector<1000x128xf32> -> vector<1000x128xf32>
    %swap3A_22 = arith.constant 1 : index
    %swap3A_23 = arith.constant 0 : index
    %swap3A_24 = arith.constant 0 : index
    %swap3A_25 = vector.load %arg6[%swap3A_22, %swap3A_23, %swap3A_24] : memref<8x1000x128xf32, #tpu.memory_space<vmem>>, vector<1x1000x128xf32>
    %swap3A_26 = vector.shape_cast %swap3A_25 : vector<1x1000x128xf32> to vector<1000x128xf32>
    %swap3A_27 = vector.shape_cast %dot_general3A_21 : vector<1000x128xf32> to vector<1x1000x128xf32>
    tpu.vector_store %arg6[%swap3A_22, %swap3A_23, %swap3A_24], %swap3A_27 {strides = array<i32>} : memref<8x1000x128xf32, #tpu.memory_space<vmem>>, vector<1x1000x128xf32>,
    %slice3A_28 = vector.extract_strided_slice %reshape3A_7 {offsets = [2, 0, 0], sizes = [1, 128, 128], strides = [1, 1, 1]} : vector<8x128x128xf32> to vector<1x128x128xf32>
    %squeeze3A_29 = vector.shape_cast %slice3A_28 : vector<1x128x128xf32> to vector<128x128xf32>
    %dot_general3A_30 = arith.constant dense<0.000000e+00> : vector<1000x128xf32>
    %dot_general3A_31 = tpu.matmul %get3A_10, %squeeze3A_29, %dot_general3A_30 {dimension_numbers = #tpu.dot_dimension_numbers<[1], [0], [0], [1], [0, 0, 1, 1], [], []>, transpose_lhs_hint = false} : vector<1000x128xf32>, vector<128x128xf32>, vector<1000x128xf32> -> vector<1000x128xf32>
    %swap3A_32 = arith.constant 2 : index
    %swap3A_33 = arith.constant 0 : index
    %swap3A_34 = arith.constant 0 : index
    %swap3A_35 = vector.load %arg6[%swap3A_32, %swap3A_33, %swap3A_34] : memref<8x1000x128xf32, #tpu.memory_space<vmem>>, vector<1x1000x128xf32>
    %swap3A_36 = vector.shape_cast %swap3A_35 : vector<1x1000x128xf32> to vector<1000x128xf32>
    %swap3A_37 = vector.shape_cast %dot_general3A_31 : vector<1000x128xf32> to vector<1x1000x128xf32>
    tpu.vector_store %arg6[%swap3A_32, %swap3A_33, %swap3A_34], %swap3A_37 {strides = array<i32>} : memref<8x1000x128xf32, #tpu.memory_space<vmem>>, vector<1x1000x128xf32>,
    %slice3A_38 = vector.extract_strided_slice %reshape3A_7 {offsets = [3, 0, 0], sizes = [1, 128, 128], strides = [1, 1, 1]} : vector<8x128x128xf32> to vector<1x128x128xf32>
    %squeeze3A_39 = vector.shape_cast %slice3A_38 : vector<1x128x128xf32> to vector<128x128xf32>
    %dot_general3A_40 = arith.constant dense<0.000000e+00> : vector<1000x128xf32>
    %dot_general3A_41 = tpu.matmul %get3A_10, %squeeze3A_39, %dot_general3A_40 {dimension_numbers = #tpu.dot_dimension_numbers<[1], [0], [0], [1], [0, 0, 1, 1], [], []>, transpose_lhs_hint = false} : vector<1000x128xf32>, vector<128x128xf32>, vector<1000x128xf32> -> vector<1000x128xf32>
    %swap3A_42 = arith.constant 3 : index
    %swap3A_43 = arith.constant 0 : index
    %swap3A_44 = arith.constant 0 : index
    %swap3A_45 = vector.load %arg6[%swap3A_42, %swap3A_43, %swap3A_44] : memref<8x1000x128xf32, #tpu.memory_space<vmem>>, vector<1x1000x128xf32>
    %swap3A_46 = vector.shape_cast %swap3A_45 : vector<1x1000x128xf32> to vector<1000x128xf32>
    %swap3A_47 = vector.shape_cast %dot_general3A_41 : vector<1000x128xf32> to vector<1x1000x128xf32>
    tpu.vector_store %arg6[%swap3A_42, %swap3A_43, %swap3A_44], %swap3A_47 {strides = array<i32>} : memref<8x1000x128xf32, #tpu.memory_space<vmem>>, vector<1x1000x128xf32>,
    %slice3A_48 = vector.extract_strided_slice %reshape3A_7 {offsets = [4, 0, 0], sizes = [1, 128, 128], strides = [1, 1, 1]} : vector<8x128x128xf32> to vector<1x128x128xf32>
    %squeeze3A_49 = vector.shape_cast %slice3A_48 : vector<1x128x128xf32> to vector<128x128xf32>
    %dot_general3A_50 = arith.constant dense<0.000000e+00> : vector<1000x128xf32>
    %dot_general3A_51 = tpu.matmul %get3A_10, %squeeze3A_49, %dot_general3A_50 {dimension_numbers = #tpu.dot_dimension_numbers<[1], [0], [0], [1], [0, 0, 1, 1], [], []>, transpose_lhs_hint = false} : vector<1000x128xf32>, vector<128x128xf32>, vector<1000x128xf32> -> vector<1000x128xf32>
    %swap3A_52 = arith.constant 4 : index
    %swap3A_53 = arith.constant 0 : index
    %swap3A_54 = arith.constant 0 : index
    %swap3A_55 = vector.load %arg6[%swap3A_52, %swap3A_53, %swap3A_54] : memref<8x1000x128xf32, #tpu.memory_space<vmem>>, vector<1x1000x128xf32>
    %swap3A_56 = vector.shape_cast %swap3A_55 : vector<1x1000x128xf32> to vector<1000x128xf32>
    %swap3A_57 = vector.shape_cast %dot_general3A_51 : vector<1000x128xf32> to vector<1x1000x128xf32>
    tpu.vector_store %arg6[%swap3A_52, %swap3A_53, %swap3A_54], %swap3A_57 {strides = array<i32>} : memref<8x1000x128xf32, #tpu.memory_space<vmem>>, vector<1x1000x128xf32>,
    %slice3A_58 = vector.extract_strided_slice %reshape3A_7 {offsets = [5, 0, 0], sizes = [1, 128, 128], strides = [1, 1, 1]} : vector<8x128x128xf32> to vector<1x128x128xf32>
    %squeeze3A_59 = vector.shape_cast %slice3A_58 : vector<1x128x128xf32> to vector<128x128xf32>
    %dot_general3A_60 = arith.constant dense<0.000000e+00> : vector<1000x128xf32>
    %dot_general3A_61 = tpu.matmul %get3A_10, %squeeze3A_59, %dot_general3A_60 {dimension_numbers = #tpu.dot_dimension_numbers<[1], [0], [0], [1], [0, 0, 1, 1], [], []>, transpose_lhs_hint = false} : vector<1000x128xf32>, vector<128x128xf32>, vector<1000x128xf32> -> vector<1000x128xf32>
    %swap3A_62 = arith.constant 5 : index
    %swap3A_63 = arith.constant 0 : index
    %swap3A_64 = arith.constant 0 : index
    %swap3A_65 = vector.load %arg6[%swap3A_62, %swap3A_63, %swap3A_64] : memref<8x1000x128xf32, #tpu.memory_space<vmem>>, vector<1x1000x128xf32>
    %swap3A_66 = vector.shape_cast %swap3A_65 : vector<1x1000x128xf32> to vector<1000x128xf32>
    %swap3A_67 = vector.shape_cast %dot_general3A_61 : vector<1000x128xf32> to vector<1x1000x128xf32>
    tpu.vector_store %arg6[%swap3A_62, %swap3A_63, %swap3A_64], %swap3A_67 {strides = array<i32>} : memref<8x1000x128xf32, #tpu.memory_space<vmem>>, vector<1x1000x128xf32>,
    %slice3A_68 = vector.extract_strided_slice %reshape3A_7 {offsets = [6, 0, 0], sizes = [1, 128, 128], strides = [1, 1, 1]} : vector<8x128x128xf32> to vector<1x128x128xf32>
    %squeeze3A_69 = vector.shape_cast %slice3A_68 : vector<1x128x128xf32> to vector<128x128xf32>
    %dot_general3A_70 = arith.constant dense<0.000000e+00> : vector<1000x128xf32>
    %dot_general3A_71 = tpu.matmul %get3A_10, %squeeze3A_69, %dot_general3A_70 {dimension_numbers = #tpu.dot_dimension_numbers<[1], [0], [0], [1], [0, 0, 1, 1], [], []>, transpose_lhs_hint = false} : vector<1000x128xf32>, vector<128x128xf32>, vector<1000x128xf32> -> vector<1000x128xf32>
    %swap3A_72 = arith.constant 6 : index
    %swap3A_73 = arith.constant 0 : index
    %swap3A_74 = arith.constant 0 : index
    %swap3A_75 = vector.load %arg6[%swap3A_72, %swap3A_73, %swap3A_74] : memref<8x1000x128xf32, #tpu.memory_space<vmem>>, vector<1x1000x128xf32>
    %swap3A_76 = vector.shape_cast %swap3A_75 : vector<1x1000x128xf32> to vector<1000x128xf32>
    %swap3A_77 = vector.shape_cast %dot_general3A_71 : vector<1000x128xf32> to vector<1x1000x128xf32>
    tpu.vector_store %arg6[%swap3A_72, %swap3A_73, %swap3A_74], %swap3A_77 {strides = array<i32>} : memref<8x1000x128xf32, #tpu.memory_space<vmem>>, vector<1x1000x128xf32>,
    %slice3A_78 = vector.extract_strided_slice %reshape3A_7 {offsets = [7, 0, 0], sizes = [1, 128, 128], strides = [1, 1, 1]} : vector<8x128x128xf32> to vector<1x128x128xf32>
    %squeeze3A_79 = vector.shape_cast %slice3A_78 : vector<1x128x128xf32> to vector<128x128xf32>
    %dot_general3A_80 = arith.constant dense<0.000000e+00> : vector<1000x128xf32>
    %dot_general3A_81 = tpu.matmul %get3A_10, %squeeze3A_79, %dot_general3A_80 {dimension_numbers = #tpu.dot_dimension_numbers<[1], [0], [0], [1], [0, 0, 1, 1], [], []>, transpose_lhs_hint = false} : vector<1000x128xf32>, vector<128x128xf32>, vector<1000x128xf32> -> vector<1000x128xf32>
    %swap3A_82 = arith.constant 7 : index
    %swap3A_83 = arith.constant 0 : index
    %swap3A_84 = arith.constant 0 : index
    %swap3A_85 = vector.load %arg6[%swap3A_82, %swap3A_83, %swap3A_84] : memref<8x1000x128xf32, #tpu.memory_space<vmem>>, vector<1x1000x128xf32>
    %swap3A_86 = vector.shape_cast %swap3A_85 : vector<1x1000x128xf32> to vector<1000x128xf32>
    %swap3A_87 = vector.shape_cast %dot_general3A_81 : vector<1000x128xf32> to vector<1x1000x128xf32>
    tpu.vector_store %arg6[%swap3A_82, %swap3A_83, %swap3A_84], %swap3A_87 {strides = array<i32>} : memref<8x1000x128xf32, #tpu.memory_space<vmem>>, vector<1x1000x128xf32>,
    %get3A_88 = arith.constant 0 : index
    %get3A_89 = arith.constant 0 : index
    %get3A_90 = vector.load %arg4[%get3A_88, %get3A_89] : memref<128x128xf32, #tpu.memory_space<vmem>>, vector<128x128xf32>
    %dot_general3A_91 = arith.constant dense<0.000000e+00> : vector<1000x128xf32>
    %dot_general3A_92 = tpu.matmul %get3A_10, %get3A_90, %dot_general3A_91 {dimension_numbers = #tpu.dot_dimension_numbers<[1], [0], [0], [1], [0, 0, 1, 1], [], []>, transpose_lhs_hint = false} : vector<1000x128xf32>, vector<128x128xf32>, vector<1000x128xf32> -> vector<1000x128xf32>
    %get3A_93 = arith.constant 0 : index
    %get3A_94 = vector.load %arg5[%get3A_93] : memref<128xf32, #tpu.memory_space<vmem>>, vector<128xf32>
    %broadcast_in_dim3A = vector.shape_cast %get3A_94 : vector<128xf32> to vector<1x128xf32>
    %add3A = vector.broadcast %broadcast_in_dim3A : vector<1x128xf32> to vector<1000x128xf32>
    %add3A_95 = arith.addf %dot_general3A_92, %add3A : vector<1000x128xf32>
    %mul3A = arith.constant 5.000000e-01 : f32
    %mul3A_96 = vector.broadcast %mul3A : f32 to vector<1000x128xf32>
    %mul3A_97 = arith.mulf %mul3A_96, %add3A_95 : vector<1000x128xf32>
    %swap3A_98 = arith.constant 0 : index
    %swap3A_99 = arith.constant 0 : index
    %swap3A_100 = vector.load %arg7[%swap3A_98, %swap3A_99] : memref<1000x128xf32, #tpu.memory_space<vmem>>, vector<1000x128xf32>
    tpu.vector_store %arg7[%swap3A_98, %swap3A_99], %mul3A_97 {strides = array<i32>} : memref<1000x128xf32, #tpu.memory_space<vmem>>, vector<1000x128xf32>,
    return
  }
  func.func @transform_0(%arg0: i32) -> (i32, i32) {
    %c0_i32 = arith.constant 0 : i32
    %c0_i32_0 = arith.constant 0 : i32
    return %arg0, %c0_i32 : i32, i32
  }
  func.func @transform_1(%arg0: i32) -> (i32, i32, i32) {
    %c0_i32 = arith.constant 0 : i32
    %c0_i32_0 = arith.constant 0 : i32
    %c0_i32_1 = arith.constant 0 : i32
    %c0_i32_2 = arith.constant 0 : i32
    return %c0_i32, %c0_i32_0, %c0_i32_1 : i32, i32, i32
  }
  func.func @transform_2(%arg0: i32) -> (i32, i32) {
    %c0_i32 = arith.constant 0 : i32
    %c0_i32_0 = arith.constant 0 : i32
    %c0_i32_1 = arith.constant 0 : i32
    return %c0_i32, %c0_i32_0 : i32, i32
  }
  func.func @transform_3(%arg0: i32) -> (i32, i32) {
    %c0_i32 = arith.constant 0 : i32
    %c0_i32_0 = arith.constant 0 : i32
    %c0_i32_1 = arith.constant 0 : i32
    return %c0_i32, %c0_i32_0 : i32, i32
  }
  func.func @transform_4(%arg0: i32) -> i32 {
    %c0_i32 = arith.constant 0 : i32
    %c0_i32_0 = arith.constant 0 : i32
    return %c0_i32 : i32
  }
  func.func @transform_5(%arg0: i32) -> (i32, i32, i32) {
    %c0_i32 = arith.constant 0 : i32
    %c0_i32_0 = arith.constant 0 : i32
    %c0_i32_1 = arith.constant 0 : i32
    return %c0_i32, %arg0, %c0_i32_0 : i32, i32, i32
  }
  func.func @transform_6(%arg0: i32) -> (i32, i32) {
    %c0_i32 = arith.constant 0 : i32
    %c0_i32_0 = arith.constant 0 : i32
    return %arg0, %c0_i32 : i32, i32
  }
}

module attributes {stable_mosaic.version = 14 : i64} {
  func.func @_tables2_body(%arg0: i32, %arg1: memref<2x1000x128xf32, #tpu.memory_space<vmem>>, %arg2: memref<4x128x128xf32, #tpu.memory_space<vmem>>, %arg3: memref<8x4xf32, #tpu.memory_space<vmem>>, %arg4: memref<128x128xf32, #tpu.memory_space<vmem>>, %arg5: memref<128xf32, #tpu.memory_space<vmem>>, %arg6: memref<8x1000x128xf32, #tpu.memory_space<vmem>>, %arg7: memref<1000x128xf32, #tpu.memory_space<vmem>>) attributes {dimension_semantics = [#tpu.dimension_semantics<arbitrary>], iteration_bounds = array<i64: 10>, scalar_prefetch = 0 : i64, scratch_operands = 0 : i64, tpu.core_type = #tpu.core_type<tc>, window_params = [{transform_indices = @transform_0, window_bounds = array<i64: 2, 1000, 128>}, {pipeline_mode = #tpu.pipeline_mode<synchronous>, transform_indices = @transform_1, window_bounds = array<i64: 4, 128, 128>}, {pipeline_mode = #tpu.pipeline_mode<synchronous>, transform_indices = @transform_2, window_bounds = array<i64: 8, 4>}, {pipeline_mode = #tpu.pipeline_mode<synchronous>, transform_indices = @transform_3, window_bounds = array<i64: 128, 128>}, {pipeline_mode = #tpu.pipeline_mode<synchronous>, transform_indices = @transform_4, window_bounds = array<i64: 128>}, {transform_indices = @transform_5, window_bounds = array<i64: 8, 1000, 128>}, {transform_indices = @transform_6, window_bounds = array<i64: 1000, 128>}]} {
    %get3A = arith.constant 0 : index
    %get3A_0 = arith.constant 0 : index
    %get3A_1 = arith.constant 0 : index
    %get3A_2 = vector.load %arg2[%get3A, %get3A_0, %get3A_1] : memref<4x128x128xf32, #tpu.memory_space<vmem>>, vector<4x128x128xf32>
    %reshape3A = vector.shape_cast %get3A_2 : vector<4x128x128xf32> to vector<4x16384xf32>
    %get3A_3 = arith.constant 0 : index
    %get3A_4 = arith.constant 0 : index
    %get3A_5 = vector.load %arg3[%get3A_3, %get3A_4] : memref<8x4xf32, #tpu.memory_space<vmem>>, vector<8x4xf32>
    %dot_general3A = arith.constant dense<0.000000e+00> : vector<8x16384xf32>
    %dot_general3A_6 = tpu.matmul %get3A_5, %reshape3A, %dot_general3A {dimension_numbers = #tpu.dot_dimension_numbers<[1], [0], [0], [1], [0, 0, 1, 1], [], []>, transpose_lhs_hint = false} : vector<8x4xf32>, vector<4x16384xf32>, vector<8x16384xf32> -> vector<8x16384xf32>
    %reshape3A_7 = vector.shape_cast %dot_general3A_6 : vector<8x16384xf32> to vector<8x128x128xf32>
    %get3A_8 = arith.constant 0 : index
    %get3A_9 = arith.constant 0 : index
    %get3A_10 = arith.constant 0 : index
    %get3A_11 = vector.load %arg1[%get3A_8, %get3A_9, %get3A_10] : memref<2x1000x128xf32, #tpu.memory_space<vmem>>, vector<1x1000x128xf32>
    %get3A_12 = vector.shape_cast %get3A_11 : vector<1x1000x128xf32> to vector<1000x128xf32>
    %get3A_13 = arith.constant 1 : index
    %get3A_14 = arith.constant 0 : index
    %get3A_15 = arith.constant 0 : index
    %get3A_16 = vector.load %arg1[%get3A_13, %get3A_14, %get3A_15] : memref<2x1000x128xf32, #tpu.memory_space<vmem>>, vector<1x1000x128xf32>
    %get3A_17 = vector.shape_cast %get3A_16 : vector<1x1000x128xf32> to vector<1000x128xf32>
    %add3A = arith.addf %get3A_12, %get3A_17 : vector<1000x128xf32>
    %max3A = arith.constant 0.000000e+00 : f32
    %max3A_18 = vector.broadcast %max3A : f32 to vector<1000x128xf32>
    %max3A_19 = arith.maximumf %add3A, %max3A_18 : vector<1000x128xf32>
    %slice3A = vector.extract_strided_slice %reshape3A_7 {offsets = [0, 0, 0], sizes = [1, 128, 128], strides = [1, 1, 1]} : vector<8x128x128xf32> to vector<1x128x128xf32>
    %squeeze3A = vector.shape_cast %slice3A : vector<1x128x128xf32> to vector<128x128xf32>
    %dot_general3A_20 = arith.constant dense<0.000000e+00> : vector<1000x128xf32>
    %dot_general3A_21 = tpu.matmul %max3A_19, %squeeze3A, %dot_general3A_20 {dimension_numbers = #tpu.dot_dimension_numbers<[1], [0], [0], [1], [0, 0, 1, 1], [], []>, transpose_lhs_hint = false} : vector<1000x128xf32>, vector<128x128xf32>, vector<1000x128xf32> -> vector<1000x128xf32>
    %swap3A = arith.constant 0 : index
    %swap3A_22 = arith.constant 0 : index
    %swap3A_23 = arith.constant 0 : index
    %swap3A_24 = vector.load %arg6[%swap3A, %swap3A_22, %swap3A_23] : memref<8x1000x128xf32, #tpu.memory_space<vmem>>, vector<1x1000x128xf32>
    %swap3A_25 = vector.shape_cast %swap3A_24 : vector<1x1000x128xf32> to vector<1000x128xf32>
    %swap3A_26 = vector.shape_cast %dot_general3A_21 : vector<1000x128xf32> to vector<1x1000x128xf32>
    tpu.vector_store %arg6[%swap3A, %swap3A_22, %swap3A_23], %swap3A_26 {strides = array<i32>} : memref<8x1000x128xf32, #tpu.memory_space<vmem>>, vector<1x1000x128xf32>,
    %slice3A_27 = vector.extract_strided_slice %reshape3A_7 {offsets = [1, 0, 0], sizes = [1, 128, 128], strides = [1, 1, 1]} : vector<8x128x128xf32> to vector<1x128x128xf32>
    %squeeze3A_28 = vector.shape_cast %slice3A_27 : vector<1x128x128xf32> to vector<128x128xf32>
    %dot_general3A_29 = arith.constant dense<0.000000e+00> : vector<1000x128xf32>
    %dot_general3A_30 = tpu.matmul %max3A_19, %squeeze3A_28, %dot_general3A_29 {dimension_numbers = #tpu.dot_dimension_numbers<[1], [0], [0], [1], [0, 0, 1, 1], [], []>, transpose_lhs_hint = false} : vector<1000x128xf32>, vector<128x128xf32>, vector<1000x128xf32> -> vector<1000x128xf32>
    %swap3A_31 = arith.constant 1 : index
    %swap3A_32 = arith.constant 0 : index
    %swap3A_33 = arith.constant 0 : index
    %swap3A_34 = vector.load %arg6[%swap3A_31, %swap3A_32, %swap3A_33] : memref<8x1000x128xf32, #tpu.memory_space<vmem>>, vector<1x1000x128xf32>
    %swap3A_35 = vector.shape_cast %swap3A_34 : vector<1x1000x128xf32> to vector<1000x128xf32>
    %swap3A_36 = vector.shape_cast %dot_general3A_30 : vector<1000x128xf32> to vector<1x1000x128xf32>
    tpu.vector_store %arg6[%swap3A_31, %swap3A_32, %swap3A_33], %swap3A_36 {strides = array<i32>} : memref<8x1000x128xf32, #tpu.memory_space<vmem>>, vector<1x1000x128xf32>,
    %slice3A_37 = vector.extract_strided_slice %reshape3A_7 {offsets = [2, 0, 0], sizes = [1, 128, 128], strides = [1, 1, 1]} : vector<8x128x128xf32> to vector<1x128x128xf32>
    %squeeze3A_38 = vector.shape_cast %slice3A_37 : vector<1x128x128xf32> to vector<128x128xf32>
    %dot_general3A_39 = arith.constant dense<0.000000e+00> : vector<1000x128xf32>
    %dot_general3A_40 = tpu.matmul %max3A_19, %squeeze3A_38, %dot_general3A_39 {dimension_numbers = #tpu.dot_dimension_numbers<[1], [0], [0], [1], [0, 0, 1, 1], [], []>, transpose_lhs_hint = false} : vector<1000x128xf32>, vector<128x128xf32>, vector<1000x128xf32> -> vector<1000x128xf32>
    %swap3A_41 = arith.constant 2 : index
    %swap3A_42 = arith.constant 0 : index
    %swap3A_43 = arith.constant 0 : index
    %swap3A_44 = vector.load %arg6[%swap3A_41, %swap3A_42, %swap3A_43] : memref<8x1000x128xf32, #tpu.memory_space<vmem>>, vector<1x1000x128xf32>
    %swap3A_45 = vector.shape_cast %swap3A_44 : vector<1x1000x128xf32> to vector<1000x128xf32>
    %swap3A_46 = vector.shape_cast %dot_general3A_40 : vector<1000x128xf32> to vector<1x1000x128xf32>
    tpu.vector_store %arg6[%swap3A_41, %swap3A_42, %swap3A_43], %swap3A_46 {strides = array<i32>} : memref<8x1000x128xf32, #tpu.memory_space<vmem>>, vector<1x1000x128xf32>,
    %slice3A_47 = vector.extract_strided_slice %reshape3A_7 {offsets = [3, 0, 0], sizes = [1, 128, 128], strides = [1, 1, 1]} : vector<8x128x128xf32> to vector<1x128x128xf32>
    %squeeze3A_48 = vector.shape_cast %slice3A_47 : vector<1x128x128xf32> to vector<128x128xf32>
    %dot_general3A_49 = arith.constant dense<0.000000e+00> : vector<1000x128xf32>
    %dot_general3A_50 = tpu.matmul %max3A_19, %squeeze3A_48, %dot_general3A_49 {dimension_numbers = #tpu.dot_dimension_numbers<[1], [0], [0], [1], [0, 0, 1, 1], [], []>, transpose_lhs_hint = false} : vector<1000x128xf32>, vector<128x128xf32>, vector<1000x128xf32> -> vector<1000x128xf32>
    %swap3A_51 = arith.constant 3 : index
    %swap3A_52 = arith.constant 0 : index
    %swap3A_53 = arith.constant 0 : index
    %swap3A_54 = vector.load %arg6[%swap3A_51, %swap3A_52, %swap3A_53] : memref<8x1000x128xf32, #tpu.memory_space<vmem>>, vector<1x1000x128xf32>
    %swap3A_55 = vector.shape_cast %swap3A_54 : vector<1x1000x128xf32> to vector<1000x128xf32>
    %swap3A_56 = vector.shape_cast %dot_general3A_50 : vector<1000x128xf32> to vector<1x1000x128xf32>
    tpu.vector_store %arg6[%swap3A_51, %swap3A_52, %swap3A_53], %swap3A_56 {strides = array<i32>} : memref<8x1000x128xf32, #tpu.memory_space<vmem>>, vector<1x1000x128xf32>,
    %slice3A_57 = vector.extract_strided_slice %reshape3A_7 {offsets = [4, 0, 0], sizes = [1, 128, 128], strides = [1, 1, 1]} : vector<8x128x128xf32> to vector<1x128x128xf32>
    %squeeze3A_58 = vector.shape_cast %slice3A_57 : vector<1x128x128xf32> to vector<128x128xf32>
    %dot_general3A_59 = arith.constant dense<0.000000e+00> : vector<1000x128xf32>
    %dot_general3A_60 = tpu.matmul %max3A_19, %squeeze3A_58, %dot_general3A_59 {dimension_numbers = #tpu.dot_dimension_numbers<[1], [0], [0], [1], [0, 0, 1, 1], [], []>, transpose_lhs_hint = false} : vector<1000x128xf32>, vector<128x128xf32>, vector<1000x128xf32> -> vector<1000x128xf32>
    %swap3A_61 = arith.constant 4 : index
    %swap3A_62 = arith.constant 0 : index
    %swap3A_63 = arith.constant 0 : index
    %swap3A_64 = vector.load %arg6[%swap3A_61, %swap3A_62, %swap3A_63] : memref<8x1000x128xf32, #tpu.memory_space<vmem>>, vector<1x1000x128xf32>
    %swap3A_65 = vector.shape_cast %swap3A_64 : vector<1x1000x128xf32> to vector<1000x128xf32>
    %swap3A_66 = vector.shape_cast %dot_general3A_60 : vector<1000x128xf32> to vector<1x1000x128xf32>
    tpu.vector_store %arg6[%swap3A_61, %swap3A_62, %swap3A_63], %swap3A_66 {strides = array<i32>} : memref<8x1000x128xf32, #tpu.memory_space<vmem>>, vector<1x1000x128xf32>,
    %slice3A_67 = vector.extract_strided_slice %reshape3A_7 {offsets = [5, 0, 0], sizes = [1, 128, 128], strides = [1, 1, 1]} : vector<8x128x128xf32> to vector<1x128x128xf32>
    %squeeze3A_68 = vector.shape_cast %slice3A_67 : vector<1x128x128xf32> to vector<128x128xf32>
    %dot_general3A_69 = arith.constant dense<0.000000e+00> : vector<1000x128xf32>
    %dot_general3A_70 = tpu.matmul %max3A_19, %squeeze3A_68, %dot_general3A_69 {dimension_numbers = #tpu.dot_dimension_numbers<[1], [0], [0], [1], [0, 0, 1, 1], [], []>, transpose_lhs_hint = false} : vector<1000x128xf32>, vector<128x128xf32>, vector<1000x128xf32> -> vector<1000x128xf32>
    %swap3A_71 = arith.constant 5 : index
    %swap3A_72 = arith.constant 0 : index
    %swap3A_73 = arith.constant 0 : index
    %swap3A_74 = vector.load %arg6[%swap3A_71, %swap3A_72, %swap3A_73] : memref<8x1000x128xf32, #tpu.memory_space<vmem>>, vector<1x1000x128xf32>
    %swap3A_75 = vector.shape_cast %swap3A_74 : vector<1x1000x128xf32> to vector<1000x128xf32>
    %swap3A_76 = vector.shape_cast %dot_general3A_70 : vector<1000x128xf32> to vector<1x1000x128xf32>
    tpu.vector_store %arg6[%swap3A_71, %swap3A_72, %swap3A_73], %swap3A_76 {strides = array<i32>} : memref<8x1000x128xf32, #tpu.memory_space<vmem>>, vector<1x1000x128xf32>,
    %slice3A_77 = vector.extract_strided_slice %reshape3A_7 {offsets = [6, 0, 0], sizes = [1, 128, 128], strides = [1, 1, 1]} : vector<8x128x128xf32> to vector<1x128x128xf32>
    %squeeze3A_78 = vector.shape_cast %slice3A_77 : vector<1x128x128xf32> to vector<128x128xf32>
    %dot_general3A_79 = arith.constant dense<0.000000e+00> : vector<1000x128xf32>
    %dot_general3A_80 = tpu.matmul %max3A_19, %squeeze3A_78, %dot_general3A_79 {dimension_numbers = #tpu.dot_dimension_numbers<[1], [0], [0], [1], [0, 0, 1, 1], [], []>, transpose_lhs_hint = false} : vector<1000x128xf32>, vector<128x128xf32>, vector<1000x128xf32> -> vector<1000x128xf32>
    %swap3A_81 = arith.constant 6 : index
    %swap3A_82 = arith.constant 0 : index
    %swap3A_83 = arith.constant 0 : index
    %swap3A_84 = vector.load %arg6[%swap3A_81, %swap3A_82, %swap3A_83] : memref<8x1000x128xf32, #tpu.memory_space<vmem>>, vector<1x1000x128xf32>
    %swap3A_85 = vector.shape_cast %swap3A_84 : vector<1x1000x128xf32> to vector<1000x128xf32>
    %swap3A_86 = vector.shape_cast %dot_general3A_80 : vector<1000x128xf32> to vector<1x1000x128xf32>
    tpu.vector_store %arg6[%swap3A_81, %swap3A_82, %swap3A_83], %swap3A_86 {strides = array<i32>} : memref<8x1000x128xf32, #tpu.memory_space<vmem>>, vector<1x1000x128xf32>,
    %slice3A_87 = vector.extract_strided_slice %reshape3A_7 {offsets = [7, 0, 0], sizes = [1, 128, 128], strides = [1, 1, 1]} : vector<8x128x128xf32> to vector<1x128x128xf32>
    %squeeze3A_88 = vector.shape_cast %slice3A_87 : vector<1x128x128xf32> to vector<128x128xf32>
    %dot_general3A_89 = arith.constant dense<0.000000e+00> : vector<1000x128xf32>
    %dot_general3A_90 = tpu.matmul %max3A_19, %squeeze3A_88, %dot_general3A_89 {dimension_numbers = #tpu.dot_dimension_numbers<[1], [0], [0], [1], [0, 0, 1, 1], [], []>, transpose_lhs_hint = false} : vector<1000x128xf32>, vector<128x128xf32>, vector<1000x128xf32> -> vector<1000x128xf32>
    %swap3A_91 = arith.constant 7 : index
    %swap3A_92 = arith.constant 0 : index
    %swap3A_93 = arith.constant 0 : index
    %swap3A_94 = vector.load %arg6[%swap3A_91, %swap3A_92, %swap3A_93] : memref<8x1000x128xf32, #tpu.memory_space<vmem>>, vector<1x1000x128xf32>
    %swap3A_95 = vector.shape_cast %swap3A_94 : vector<1x1000x128xf32> to vector<1000x128xf32>
    %swap3A_96 = vector.shape_cast %dot_general3A_90 : vector<1000x128xf32> to vector<1x1000x128xf32>
    tpu.vector_store %arg6[%swap3A_91, %swap3A_92, %swap3A_93], %swap3A_96 {strides = array<i32>} : memref<8x1000x128xf32, #tpu.memory_space<vmem>>, vector<1x1000x128xf32>,
    %get3A_97 = arith.constant 0 : index
    %get3A_98 = arith.constant 0 : index
    %get3A_99 = vector.load %arg4[%get3A_97, %get3A_98] : memref<128x128xf32, #tpu.memory_space<vmem>>, vector<128x128xf32>
    %dot_general3A_100 = arith.constant dense<0.000000e+00> : vector<1000x128xf32>
    %dot_general3A_101 = tpu.matmul %max3A_19, %get3A_99, %dot_general3A_100 {dimension_numbers = #tpu.dot_dimension_numbers<[1], [0], [0], [1], [0, 0, 1, 1], [], []>, transpose_lhs_hint = false} : vector<1000x128xf32>, vector<128x128xf32>, vector<1000x128xf32> -> vector<1000x128xf32>
    %get3A_102 = arith.constant 0 : index
    %get3A_103 = vector.load %arg5[%get3A_102] : memref<128xf32, #tpu.memory_space<vmem>>, vector<128xf32>
    %broadcast_in_dim3A = vector.shape_cast %get3A_103 : vector<128xf32> to vector<1x128xf32>
    %add3A_104 = vector.broadcast %broadcast_in_dim3A : vector<1x128xf32> to vector<1000x128xf32>
    %add3A_105 = arith.addf %dot_general3A_101, %add3A_104 : vector<1000x128xf32>
    %mul3A = arith.constant 5.000000e-01 : f32
    %mul3A_106 = vector.broadcast %mul3A : f32 to vector<1000x128xf32>
    %mul3A_107 = arith.mulf %mul3A_106, %add3A_105 : vector<1000x128xf32>
    %swap3A_108 = arith.constant 0 : index
    %swap3A_109 = arith.constant 0 : index
    %swap3A_110 = vector.load %arg7[%swap3A_108, %swap3A_109] : memref<1000x128xf32, #tpu.memory_space<vmem>>, vector<1000x128xf32>
    tpu.vector_store %arg7[%swap3A_108, %swap3A_109], %mul3A_107 {strides = array<i32>} : memref<1000x128xf32, #tpu.memory_space<vmem>>, vector<1000x128xf32>,
    return
  }
  func.func @transform_0(%arg0: i32) -> (i32, i32, i32) {
    %c0_i32 = arith.constant 0 : i32
    %c0_i32_0 = arith.constant 0 : i32
    %c0_i32_1 = arith.constant 0 : i32
    return %c0_i32, %arg0, %c0_i32_0 : i32, i32, i32
  }
  func.func @transform_1(%arg0: i32) -> (i32, i32, i32) {
    %c0_i32 = arith.constant 0 : i32
    %c0_i32_0 = arith.constant 0 : i32
    %c0_i32_1 = arith.constant 0 : i32
    %c0_i32_2 = arith.constant 0 : i32
    return %c0_i32, %c0_i32_0, %c0_i32_1 : i32, i32, i32
  }
  func.func @transform_2(%arg0: i32) -> (i32, i32) {
    %c0_i32 = arith.constant 0 : i32
    %c0_i32_0 = arith.constant 0 : i32
    %c0_i32_1 = arith.constant 0 : i32
    return %c0_i32, %c0_i32_0 : i32, i32
  }
  func.func @transform_3(%arg0: i32) -> (i32, i32) {
    %c0_i32 = arith.constant 0 : i32
    %c0_i32_0 = arith.constant 0 : i32
    %c0_i32_1 = arith.constant 0 : i32
    return %c0_i32, %c0_i32_0 : i32, i32
  }
  func.func @transform_4(%arg0: i32) -> i32 {
    %c0_i32 = arith.constant 0 : i32
    %c0_i32_0 = arith.constant 0 : i32
    return %c0_i32 : i32
  }
  func.func @transform_5(%arg0: i32) -> (i32, i32, i32) {
    %c0_i32 = arith.constant 0 : i32
    %c0_i32_0 = arith.constant 0 : i32
    %c0_i32_1 = arith.constant 0 : i32
    return %c0_i32, %arg0, %c0_i32_0 : i32, i32, i32
  }
  func.func @transform_6(%arg0: i32) -> (i32, i32) {
    %c0_i32 = arith.constant 0 : i32
    %c0_i32_0 = arith.constant 0 : i32
    return %arg0, %c0_i32 : i32, i32
  }
}

module attributes {stable_mosaic.version = 14 : i64} {
  func.func @_combine_body(%arg0: i32, %arg1: memref<2x1000x128xf32, #tpu.memory_space<vmem>>, %arg2: memref<1000x128xf32, #tpu.memory_space<vmem>>) attributes {dimension_semantics = [#tpu.dimension_semantics<arbitrary>], iteration_bounds = array<i64: 10>, scalar_prefetch = 0 : i64, scratch_operands = 0 : i64, tpu.core_type = #tpu.core_type<tc>, window_params = [{transform_indices = @transform_0, window_bounds = array<i64: 2, 1000, 128>}, {transform_indices = @transform_1, window_bounds = array<i64: 1000, 128>}]} {
    %get3A = arith.constant 0 : index
    %get3A_0 = arith.constant 0 : index
    %get3A_1 = arith.constant 0 : index
    %get3A_2 = vector.load %arg1[%get3A, %get3A_0, %get3A_1] : memref<2x1000x128xf32, #tpu.memory_space<vmem>>, vector<1x1000x128xf32>
    %get3A_3 = vector.shape_cast %get3A_2 : vector<1x1000x128xf32> to vector<1000x128xf32>
    %get3A_4 = arith.constant 1 : index
    %get3A_5 = arith.constant 0 : index
    %get3A_6 = arith.constant 0 : index
    %get3A_7 = vector.load %arg1[%get3A_4, %get3A_5, %get3A_6] : memref<2x1000x128xf32, #tpu.memory_space<vmem>>, vector<1x1000x128xf32>
    %get3A_8 = vector.shape_cast %get3A_7 : vector<1x1000x128xf32> to vector<1000x128xf32>
    %add3A = arith.addf %get3A_3, %get3A_8 : vector<1000x128xf32>
    %swap3A = arith.constant 0 : index
    %swap3A_9 = arith.constant 0 : index
    %swap3A_10 = vector.load %arg2[%swap3A, %swap3A_9] : memref<1000x128xf32, #tpu.memory_space<vmem>>, vector<1000x128xf32>
    tpu.vector_store %arg2[%swap3A, %swap3A_9], %add3A {strides = array<i32>} : memref<1000x128xf32, #tpu.memory_space<vmem>>, vector<1000x128xf32>,
    return
  }
  func.func @transform_0(%arg0: i32) -> (i32, i32, i32) {
    %c0_i32 = arith.constant 0 : i32
    %c0_i32_0 = arith.constant 0 : i32
    %c0_i32_1 = arith.constant 0 : i32
    return %c0_i32, %arg0, %c0_i32_0 : i32, i32, i32
  }
  func.func @transform_1(%arg0: i32) -> (i32, i32) {
    %c0_i32 = arith.constant 0 : i32
    %c0_i32_0 = arith.constant 0 : i32
    return %arg0, %c0_i32 : i32, i32
  }
}

</mosaic_0001>

<sc_bundles>
// kernel: kernel.10.cloned.1.call-start
scs
__scs_entry_jumppad:
0x0: {  	(pc) =	sbr.rel $0x88, $3  }
0x1: {  	(tag) =	ssettag $0x0;
	lr =	simm.s32 $0x1  }
0x2: {  	[smem:$0x3F96] =	sst lr;
	_ =	strace $0xD0000000  }
0x3: {  	_ = 	snop  }
0x4: {  	_ = 	snop  }
0x5: {  	_ = 	snop  }
0x6: {  	_ = 	snop  }
0x7: {  	_ = 	snop  }
__scs_overlays_trampoline_lowered:
0x8: {  	[smem:$0x3FA5] =	sst s0  }
0x9: {  	[smem:$0x3FA6] =	sst s1  }
0xa: {  	[smem:$0x3FA7] =	sst s2  }
0xb: {  	[smem:$0x3FA8] =	sst s3  }
0xc: {  	[smem:$0x3FA9] =	sst s4  }
0xd: {  	[smem:$0x3FAA] =	sst s5  }
0xe: {  	[smem:$0x3FAB] =	sst s6  }
0xf: {  	[smem:$0x3FAC] =	sst s7  }
0x10: {  	[smem:$0x3FAD] =	sst s8  }
0x11: {  	[smem:$0x3FAE] =	sst s9;
	s0 =	simm.s32 @!p0 $0x0  }
0x12: {  	s1 =	sld [smem:$0x3F94];
	s0 =	simm.s32 @p0 $0x1  }
0x13: {  	[smem:$0x3FAF] =	sst s0;
	s0 =	simm.s32 @!p1 $0x0  }
0x14: {  	s2 =	sld [smem:$0x3F93];
	s0 =	simm.s32 @p1 $0x1  }
0x15: {  	[smem:$0x3FB0] =	sst s0;
	s0 =	simm.s32 @!p2 $0x0  }
0x16: {  	s3 =	sld [smem:$0x3FDB];
	s0 =	simm.s32 @p2 $0x1  }
0x17: {  	s4 =	simm.s32 $0x1BF5;
	[smem:$0x3FB2] =	sst s0  }
0x18: {  	s0 =	sld [smem:$0x3F95];
	_ =	swait.ge [sflag:s4], $0x0  }
0x19: {  	s7 =	sld [smem:$0x3F96]  }
0x1a: {  	s8 =	sadd.s32 $0xFFFFE003, lr  }
0x1b: {  	s9 =	sadd.s32 $0xFFFFFEF7, lr;
	s5 =	simm.s32 $0xFFFFFFFF;
	p2 =	slt.u32 s8, $0xFFFFF086  }
0x1c: {  	p1 =	slt.u32 s9, $0xF7A;
	s5 =	simm.s32 @!p2 $0x0  }
0x1d: {  	s5 =	simm.s32 @p1 $0x1;
	p0 =	seq.s32 s7, s2  }
0x1e: {  	s7 =	smul.u32 @!p0 $0xF7A, s2;
	p2 =	seq.s32 @!p0 s5, $0x0  }
0x1f: {  	s9 =	smul.u32 $0xF7A, s1;
	s8 =	simm.s32 @!p0 $0x1BF5;
	p2 =	por !p2, p0  }
0x20: {  	[sflag:s8] =	ssyncset.s32 @!p0 $0xFFFFF086;
	s6 =	sadd.s32 @!p0 s3, s7;
	s7 =	simm.s32 @!p0 $0x108  }
0x21: {  	s3 =	sadd.s32 s3, s9;
	s6 =	sadd.s32 @!p0 $0x88, s6;
	s7 =	simm.s32 @p2 $0x1082  }
0x22: {  	[simem:s7], [sflag:s8] =	dma.local @!p0 [hbm:s6], $0xF7A  }
0x23: {  	s9 =	sor.u32 $0xD0000000, s2;
	s6 =	simm.s32 $0x108;
	_ =	swait.ge @!p0 [sflag:s8], $0x0  }
0x24: {  	s3 =	sadd.s32 $0x88, s3;
	s6 =	simm.s32 @!p1 $0x1082;
	[sflag:s4] =	ssyncset.s32 $0xFFFFF086  }
0x25: {  	[simem:s6], [sflag:s4] =	dma.local [hbm:s3], $0xF7A  }
0x26: {  	[smem:$0x3F96] =	sst s1;
	(tag) =	ssettag s2;
	_ =	strace s9  }
0x27: {  	s1 =	sld [smem:$0x3FA6]  }
0x28: {  	s2 =	sld [smem:$0x3FA7]  }
0x29: {  	s4 =	sld [smem:$0x3FA9]  }
0x2a: {  	p0 =	seq.s32 s5, $0x0;
	s5 =	sld [smem:$0x3FAA]  }
0x2b: {  	s6 =	sld [smem:$0x3FAB]  }
0x2c: {  	s7 =	sld [smem:$0x3FAC]  }
0x2d: {  	s3 =	simm.s32 $0x108;
	s8 =	sld [smem:$0x3FAD]  }
0x2e: {  	s3 =	simm.s32 @!p0 $0x1082;
	s9 =	sld [smem:$0x3FAE]  }
0x2f: {  	lr =	sadd.s32 s0, s3;
	s0 =	sld [smem:$0x3FA5]  }
0x30: {  	s3 =	sld [smem:$0x3FA8]  }
0x31: {  	[smem:$0x3FB1] =	sst s10  }
0x32: {  	s10 =	sld [smem:$0x3FAF];
	_ =	sdelay $0x3  }
0x33: {  	p0 =	seq.s32 s10, $0x1;
	s10 =	sld [smem:$0x3FB1];
	_ =	sdelay $0x3  }
0x34: {  	[smem:$0x3FB1] =	sst s10  }
0x35: {  	s10 =	sld [smem:$0x3FB0];
	_ =	sdelay $0x3  }
0x36: {  	p1 =	seq.s32 s10, $0x1;
	s10 =	sld [smem:$0x3FB1];
	_ =	sdelay $0x3  }
0x37: {  	[smem:$0x3FB1] =	sst s10  }
0x38: {  	s10 =	sld [smem:$0x3FB2]  }
0x39: {  	_ = 	snop;
	(pc) =	sbr.ind lr, $3  }
0x3a: {  	_ = 	snop  }
0x3b: {  	_ = 	snop  }
0x3c: {  	p2 =	seq.s32 s10, $0x1;
	s10 =	sld [smem:$0x3FB1]  }
0x3d: {  	_ =	shalt  }
0x3e: {  	_ =	shalt  }
0x3f: {  	_ =	shalt  }
0x40: {  	_ =	shalt  }
0x41: {  	_ =	shalt  }
0x42: {  	_ =	shalt  }
0x43: {  	_ =	shalt  }
0x44: {  	_ =	shalt  }
0x45: {  	_ =	shalt  }
0x46: {  	_ =	shalt  }
0x47: {  	_ =	shalt  }
0x48: {  	_ =	shalt  }
0x49: {  	_ =	shalt  }
0x4a: {  	_ =	shalt  }
0x4b: {  	_ =	shalt  }
0x4c: {  	_ =	shalt  }
0x4d: {  	_ =	shalt  }
0x4e: {  	_ =	shalt  }
0x4f: {  	_ =	shalt  }
0x50: {  	_ =	shalt  }
0x51: {  	_ =	shalt  }
0x52: {  	_ =	shalt  }
0x53: {  	_ =	shalt  }
0x54: {  	_ =	shalt  }
0x55: {  	_ =	shalt  }
0x56: {  	_ =	shalt  }
0x57: {  	_ =	shalt  }
0x58: {  	_ =	shalt  }
0x59: {  	_ =	shalt  }
0x5a: {  	_ =	shalt  }
0x5b: {  	_ =	shalt  }
0x5c: {  	_ =	shalt  }
0x5d: {  	_ =	shalt  }
0x5e: {  	_ =	shalt  }
0x5f: {  	_ =	shalt  }
0x60: {  	_ =	shalt  }
0x61: {  	_ =	shalt  }
0x62: {  	_ =	shalt  }
0x63: {  	_ =	shalt  }
0x64: {  	_ =	shalt  }
0x65: {  	_ =	shalt  }
0x66: {  	_ =	shalt  }
0x67: {  	_ =	shalt  }
0x68: {  	_ =	shalt  }
0x69: {  	_ =	shalt  }
0x6a: {  	_ =	shalt  }
0x6b: {  	_ =	shalt  }
0x6c: {  	_ =	shalt  }
0x6d: {  	_ =	shalt  }
0x6e: {  	_ =	shalt  }
0x6f: {  	_ =	shalt  }
0x70: {  	_ =	shalt  }
0x71: {  	_ =	shalt  }
0x72: {  	_ =	shalt  }
0x73: {  	_ =	shalt  }
0x74: {  	_ =	shalt  }
0x75: {  	_ =	shalt  }
0x76: {  	_ =	shalt  }
0x77: {  	_ =	shalt  }
0x78: {  	_ =	shalt  }
0x79: {  	_ =	shalt  }
0x7a: {  	_ =	shalt  }
0x7b: {  	_ =	shalt  }
0x7c: {  	_ =	shalt  }
0x7d: {  	_ =	shalt  }
0x7e: {  	_ =	shalt  }
0x7f: {  	_ =	shalt  }
0x80: {  	_ =	shalt  }
0x81: {  	_ =	shalt  }
0x82: {  	_ =	shalt  }
0x83: {  	_ =	shalt  }
0x84: {  	_ =	shalt  }
0x85: {  	_ =	shalt  }
0x86: {  	_ =	shalt  }
0x87: {  	_ =	shalt  }
.Lfunc_end0:
.L_simem_size_0:
called_computation.1_lowered:
.L_overlay_start_0:
0x88: {  	s2 =	sld [smem:$0x3FD9]  }
0x89: {  	s3 =	sld [smem:$0x3FFE];
	_ =	sdelay $0x1  }
0x8a: {  	s1 =	srdreg.scid  }
0x8b: {  	s0 =	sand.u32 $0x1, s1  }
0x8c: {  	s17 =	sshll.u32 s0, $0xA;
	s2 =	sadd.s32 s3, s2  }
0x8d: {  	s2 =	sadd.s32 s2, s17  }
0x8e: {  	[smem:$0x3FBD] =	sst s2  }
0x8f: {  	_ = 	snop  }
0x90: {  	s2 =	sld [smem:$0x3FD0];
	(tm) =	ssettm $0x1  }
0x91: {  	s18 =	sld [smem:$0x3FFB];
	_ =	sdelay $0x3  }
0x92: {  	_ =	strace s18  }
0x93: {  	s3 =	sld [smem:$0x3FFC];
	_ =	sdelay $0x3  }
0x94: {  	_ =	strace s3  }
0x95: {  	s3 =	sld [smem:$0x3FFD];
	_ =	sdelay $0x3  }
0x96: {  	_ =	strace s3  }
0x97: {  	_ =	strace $0x8FFFFFFF  }
0x98: {  	s19 =	sld [smem:$0x3FDB];
	_ =	sdelay $0x1  }
0x99: {  	s4 =	simm.s32 $_scs_section_size  }
0x9a: {  	s5 =	simm.s32 $_size__tile_overlayer_lowered;
	s6 =	simm.s32 $_tile_overlayer_lowered  }
0x9b: {  	s22 =	simm.s32 $0x1BFF;
	s21 =	sshll.u32 s6, $0x1;
	s3 =	sadd.s32 s4, s19  }
0x9c: {  	s7 =	simm.s32 $0x0;
	s20 =	sshll.u32 s5, $0x1;
	s5 =	sadd.s32 s21, s3  }
0x9d: {  	[timem:s7], [sflag:s22] =	dma.local [hbm:s5], s20  }
0x9e: {  	_ =	swait.ge [sflag:s22], s20  }
0x9f: {  	s4 =	ssub.s32 $0x0, s20;
	[sflag:s22] =	ssyncset.done $0x0  }
0xa0: {  	[sflag:s22] =	ssyncadd.s32 s4;
	_ =	sdelay $0x1  }
0xa1: {  	s23 =	simm.s32 $0x1B8B  }
0xa2: {  	_ =	swait.ge [sflag:s23], $0x1  }
0xa3: {  	[sflag:s23] =	ssyncset.done $0x0  }
0xa4: {  	s25 =	simm.s32 $0x1B8E;
	s24 =	sld [smem:$0x3FFE];
	[sflag:s23] =	ssyncadd.s32 $0xFFFFFFFF  }
0xa5: {  	s26 =	simm.s32 $execute0_lowered;
	[smem:$0x3FD2] =	sst s25  }
0xa6: {  	s5 =	sshll.u32 s26, $0x1;
	_ =	strace $0x80000049;
	[dreg:$0x1] =	wrdreg $0xFFFFFFFF  }
0xa7: {  	s28 =	simm.s32 $_size_execute0_lowered;
	s3 =	sadd.s32 s3, s5;
	[dreg:$0x0] =	wrdreg $0x0  }
0xa8: {  	s5 =	sshll.u32 s28, $0x1;
	[dreg:$0x2] =	wrdreg s3  }
0xa9: {  	[dreg:$0x3] =	wrdreg s5  }
0xaa: {  	[dreg:$0x4] =	wrdreg $0xC0  }
0xab: {  	_ =	task [dreg:s7], $0x5FFFF  }
0xac: {  	[dreg:$0x1] =	wrdreg $0xFFFFFFFF  }
0xad: {  	[dreg:$0x0] =	wrdreg $0x60  }
0xae: {  	[dreg:$0x2] =	wrdreg s24  }
0xaf: {  	[dreg:$0x3] =	wrdreg s2  }
0xb0: {  	[dreg:$0x4] =	wrdreg $0xB7800  }
0xb1: {  	[dreg:$0x5] =	wrdreg $0x9  }
0xb2: {  	_ =	task.clear_ibuf [dreg:s7], $0x6FFFF;
	_ =	strace $0x90000049  }
0xb3: {  	s29 =	simm.s32 $0x9;
	_ =	strace $0x8000004B  }
0xb4: {  	_ =	swait.ge [sflag:s29], $0x1  }
0xb5: {  	[sflag:s29] =	ssyncadd.s32 $0xFFFFFFFF  }
0xb6: {  	_ =	strace $0x9000004B  }
0xb7: {  	_ =	sfence  }
0xb8: {  	s30 =	sld [smem:$0x0];
	_ =	sdelay $0x2  }
0xb9: {  	s31 =	sshll.u32 s1, $0xD;
	s1 =	sshrl.u32 s1, $0x2  }
0xba: {  	s3 =	sand.u32 $0x4000, s31;
	s1 =	sadd.s32 s1, s30  }
0xbb: {  	s0 =	sor.u32 s3, s0;
	s1 =	sshll.u32 s1, $0x11  }
0xbc: {  	s0 =	sor.u32 s1, s0  }
0xbd: {  	s0 =	sadd.s32 $0x8F2B, s0  }
0xbe: {  	[sflag:s0] =	ssyncadd.remote.s32 $0x1  }
0xbf: {  	_ =	sfence.sel $0xFFFF  }
0xc0: {  	[dreg:$0x0] =	wrdreg $0xFFFFFFFF;
	(pc) =	sbr.abs _section_cstart, $3  }
0xc1: {  	[dreg:$0x1] =	wrdreg $0xFFFFFFFF  }
0xc2: {  	_ =	task.clear_ibuf [dreg:s7], $0x2FFFF;
	_ =	strace $0x9FFFFFFF  }
0xc3: {  	(tm) =	ssettm $0x7FFFFFFF  }
tec
execute0_lowered:
.L_overlay_start_1:
0x0: {  	(tag) =	ssettag $0x1  }
0x1: {  	s4 =	rddreg [dreg:$0x0]  }
0x2: {  	s6 =	rddreg [dreg:$0x1];
	s0 =	srdreg.scid  }
0x3: {  	s12 =	stileid.u32;
	s1 =	rddreg [dreg:$0x2]  }
0x4: {  	s2 =	simm.s32 $0x0;
	s17 =	simm.s32 $0x50;
	s18 =	simm.s32 $0x8F80  }
0x5: {  	s19 =	simm.s32 $0x1;
	s20 =	simm.s32 $0x2;
	s21 =	simm.s32 $0x6580  }
0x6: {  	s22 =	simm.s32 $0x0;
	s5 =	sand.u32 $0x1, s0;
	s0 =	rddreg [dreg:$0x3]  }
0x7: {  	s3 =	sshll.u32 s12, $0x1;
	[smem:$0x7FF] =	sst s2;
	s9 =	smul.u32 $0x4E000, s12  }
0x8: {  	s11 =	smul.u32 $0x13800, s12;
	s13 =	sadd.s32 $0x154600, s4;
	s28 =	sshll.u32 s12, $0x6  }
0x9: {  	s16 =	sadd.s32 $0x138000, s1;
	p0 =	sne.s32 s12, $0x0;
	_ =	strace $0x8000004A  }
0xa: {  	s7 =	sor.u32 s5, s3;
	s3 =	sadd.s32 $0x1BE00, s4;
	s29 =	smul.u32 $0x138800, s5  }
0xb: {  	s24 =	ssub.s32 $0x2, s5;
	s5 =	sor.u32 $0x1C03, s28;
	s8 =	smul.u32 $0x4E2, s7  }
0xc: {  	s7 =	sshll.u32 s7, $0xB;
	s25 =	sshrl.u32 s24, $0x1;
	s9 =	sshrl.u32 s9, $0x2  }
0xd: {  	s26 =	sshrl.u32 s11, $0x3;
	s10 =	sadd.s32 s7, s4;
	s14 =	ssub.s32 s24, s25  }
0xe: {  	s15 =	sadd.s32 s9, s1;
	s11 =	sadd.s32 s11, s29;
	s9 =	sshrl.u32 s29, $0x3  }
0xf: {  	s8 =	sadd.s32 s8, s4;
	s4 =	sadd.s32 s6, s26;
	s6 =	sadd.s32 $0x27000, s6  }
0x10: {  	s30 =	sshrl.u32 s11, $0x3;
	s31 =	sadd.s32 s13, s9;
	s11 =	smax.u32 s14, $0x1  }
0x11: {  	s12 =	sshrl.u32 s15, $0x3;
	s14 =	sshrl.u32 @!p0 s16, $0x3;
	s15 =	simm.s32 $0x2780  }
0x12: {  	s16 =	simm.s32 $0x6780;
	s7 =	sadd.s32 $0x12000, s8;
	s8 =	sadd.s32 $0x2000, s10  }
0x13: {  	s9 =	sadd.s32 s13, s30;
	s10 =	sadd.s32 $0x27000, s31;
	s13 =	simm.s32 $0x3  }
.LBB2_1:
0x14: {  	[spmem:s12], [sflag:s5] =	dma.local [hbm:s4], $0x2700  }
0x15: {  	_ =	swait.ge [sflag:s13], $0x2700  }
0x16: {  	[sflag:s13] =	ssyncset.done $0x0  }
0x17: {  	s23 =	simm.s32 @!p0 $0x3;
	[sflag:s13] =	ssyncadd.s32 $0xFFFFD900  }
0x18: {  	[spmem:s14], [sflag:s5] =	dma.local @!p0 [hbm:s6], $0x100  }
0x19: {  	_ =	swait.ge @!p0 [sflag:s23], $0x100  }
0x1a: {  	[sflag:s23] =	ssyncset.done @!p0 $0x0  }
0x1b: {  	[sflag:s23] =	ssyncadd.s32 @!p0 $0xFFFFFF00  }
0x1c: {  	[tilespmem:s2], [sflag:$0x3] =	stream.linear.gather [hbm4b:s7+s2], $0x2710, $0x38;
	[tilespmem:$0x1F000] =	vst v63  }
0x1d: {  	_ =	swait.ge [sflag:s13], $0x2710  }
0x1e: {  	[sflag:s13] =	ssyncset.done $0x0  }
0x1f: {  	[sflag:s13] =	ssyncadd.s32 $0xFFFFD8F0  }
0x20: {  	[tilespmem:s15], [sflag:$0x3] =	stream.linear.gather [hbm4b:s8+s2], $0x3E80, $0x38;
	[tilespmem:$0x1F000] =	vst v63  }
0x21: {  	_ =	swait.ge [sflag:s13], $0x3E80  }
0x22: {  	[sflag:s13] =	ssyncset.done $0x0  }
0x23: {  	[sflag:s13] =	ssyncadd.s32 $0xFFFFC180  }
0x24: {  	[bflag:$0x0] =	sbarrier.arrive $0xFFFF  }
0x25: {  	[tilespmem:s16], [sflag:$0x1] =	stream.indirect.gather [hbm4b:s3+s17], $0x80, s2, s17, $0xb8;
	[tilespmem:$0x1F000] =	vst v63  }
0x26: {  	_ = 	snop  }
0x27: {  	[tilespmem:s18], [sflag:$0x2] =	stream.indirect.gather [hbm4b:s3+s17], $0x80, s17, s17, $0xb8;
	[tilespmem:$0x1F000] =	vst v63  }
0x28: {  	_ =	swait.ge [sflag:s19], $0x2800  }
0x29: {  	[sflag:s19] =	ssyncset.done $0x0  }
0x2a: {  	s29 =	simm.s32 $0x2780;
	[sflag:s19] =	ssyncadd.s32 $0xFFFFD800  }
0x2b: {  	[spmem:s1] =	stream.indirect.scatter.add.f32 [tilespmem:s16], [sflag:$0x3], $0x80, s29, s17, $0xb8;
	[tilespmem:$0x1F000] =	vst v63  }
0x2c: {  	_ =	swait.ge [sflag:s13], $0x2800  }
0x2d: {  	[sflag:s13] =	ssyncset.done $0x0  }
0x2e: {  	s30 =	simm.s32 $0xA0;
	[sflag:s13] =	ssyncadd.s32 $0xFFFFD800  }
0x2f: {  	[tilespmem:s16], [sflag:$0x1] =	stream.indirect.gather [hbm4b:s3+s17], $0x80, s30, s17, $0xb8;
	[tilespmem:$0x1F000] =	vst v63  }
0x30: {  	_ =	swait.ge [sflag:s20], $0x2800  }
0x31: {  	[sflag:s20] =	ssyncset.done $0x0  }
0x32: {  	s31 =	simm.s32 $0x2800;
	[sflag:s20] =	ssyncadd.s32 $0xFFFFD800  }
0x33: {  	[spmem:s1] =	stream.indirect.scatter.add.f32 [tilespmem:s18], [sflag:$0x3], $0x80, s31, s17, $0xb8;
	[tilespmem:$0x1F000] =	vst v63  }
0x34: {  	_ =	swait.ge [sflag:s13], $0x2800  }
0x35: {  	s24 =	simm.s32 $0x50;
	s23 =	simm.s32 $0x400;
	[sflag:s13] =	ssyncset.done $0x0  }
.LBB2_2:
0x36: {  	p1 =	sne.s32 s23, $0xF400;
	[sflag:s13] =	ssyncadd.s32 $0xFFFFD800;
	s24 =	sadd.s32 $0xA0, s24  }
0x37: {  	[tilespmem:s18], [sflag:$0x2] =	stream.indirect.gather [hbm4b:s3+s17], $0x80, s24, s17, $0xb8;
	[tilespmem:$0x1F000] =	vst v63  }
0x38: {  	s25 =	smov.u32 s23;
	s23 =	sadd.s32 $0x400, s23;
	_ =	swait.ge [sflag:s19], $0x2800  }
0x39: {  	s25 =	sshra.s32 s25, $0x2;
	[sflag:s19] =	ssyncset.done $0x0  }
0x3a: {  	s26 =	sadd.s32 $0x2780, s25;
	[sflag:s19] =	ssyncadd.s32 $0xFFFFD800  }
0x3b: {  	[spmem:s1] =	stream.indirect.scatter.add.f32 [tilespmem:s16], [sflag:$0x3], $0x80, s26, s17, $0xb8;
	[tilespmem:$0x1F000] =	vst v63  }
0x3c: {  	_ =	swait.ge [sflag:s13], $0x2800  }
0x3d: {  	[sflag:s13] =	ssyncset.done $0x0  }
0x3e: {  	s26 =	sadd.s32 $0x50, s24;
	[sflag:s13] =	ssyncadd.s32 $0xFFFFD800  }
0x3f: {  	[tilespmem:s16], [sflag:$0x1] =	stream.indirect.gather [hbm4b:s3+s17], $0x80, s26, s17, $0xb8;
	[tilespmem:$0x1F000] =	vst v63  }
0x40: {  	_ =	swait.ge [sflag:s20], $0x2800  }
.Ltmp0:
0x41: {  	[sflag:s20] =	ssyncset.done $0x0;
	(pc) =	sbr.rel @p1 .LBB2_2-.Ltmp0, $4  }
0x42: {  	s25 =	sadd.s32 $0x2800, s25;
	[sflag:s20] =	ssyncadd.s32 $0xFFFFD800  }
0x43: {  	[spmem:s1] =	stream.indirect.scatter.add.f32 [tilespmem:s18], [sflag:$0x3], $0x80, s25, s17, $0xb8;
	[tilespmem:$0x1F000] =	vst v63  }
0x44: {  	_ =	swait.ge [sflag:s13], $0x2800  }
0x45: {  	[sflag:s13] =	ssyncset.done $0x0  }
0x46: {  	[sflag:s13] =	ssyncadd.s32 $0xFFFFD800  }
0x47: {  	_ =	swait.ge [sflag:s19], $0x2800  }
0x48: {  	[sflag:s19] =	ssyncset.done $0x0  }
0x49: {  	[sflag:s19] =	ssyncadd.s32 $0xFFFFD800  }
0x4a: {  	[spmem:s1] =	stream.indirect.scatter.add.f32 [tilespmem:s16], [sflag:$0x3], $0x80, s21, s17, $0xb8;
	[tilespmem:$0x1F000] =	vst v63  }
0x4b: {  	_ =	swait.ge [sflag:s13], $0x2800  }
0x4c: {  	[sflag:s13] =	ssyncset.done $0x0  }
0x4d: {  	[sflag:s13] =	ssyncadd.s32 $0xFFFFD800  }
0x4e: {  	[bflag:$0x0] =	sbarrier.arrive $0xFFFF  }
0x4f: {  	[hbm:s9], [sflag:s5] =	dma.local [spmem:s12], $0x2700  }
0x50: {  	s22 =	sadd.s32 $0x1, s22;
	_ =	swait.ge [sflag:s13], $0x2700  }
0x51: {  	p1 =	sne.s32 s22, s11;
	[sflag:s13] =	ssyncset.done $0x0  }
.Ltmp1:
0x52: {  	s23 =	simm.s32 @!p0 $0x3;
	[sflag:s13] =	ssyncadd.s32 $0xFFFFD900;
	(pc) =	sbr.rel @p1 .LBB2_1-.Ltmp1, $4  }
0x53: {  	[hbm:s10], [sflag:s5] =	dma.local @!p0 [spmem:s14], $0x100  }
0x54: {  	_ =	swait.ge @!p0 [sflag:s23], $0x100  }
0x55: {  	[sflag:s23] =	ssyncset.done @!p0 $0x0  }
0x56: {  	[sflag:s23] =	ssyncadd.s32 @!p0 $0xFFFFFF00  }
0x57: {  	_ =	sfence.sel $0x180000  }
0x58: {  	[bflag:$0x0] =	sbarrier.arrive $0xFFFF  }
0x59: {  	_ =	strace $0x9000004A  }
0x5a: {  	s0 =	sadd.s32 @!p0 $0x100000, s0;
	[bflag:$0x2] =	sbarrier.arrive $0xFFFF  }
0x5b: {  	[sflag:s0] =	ssyncadd.tile.s32 @!p0 $0x1;
	_ =	shalt  }
.Lfunc_end2:
_tile_overlayer_lowered:
.L_overlay_start_2:
0x5c: {  	(tag) =	ssettag $0x2  }
0x5d: {  	s0 =	rddreg [dreg:$0x0];
	s2 =	stileid.u32  }
0x5e: {  	s1 =	rddreg [dreg:$0x1];
	p0 =	sne.s32 s2, $0x0  }
0x5f: {  	s3 =	rddreg [dreg:$0x2];
	[bflag:$0x3] =	sbarrier.arrive $0xFFFF;
	s2 =	simm.s32 @!p0 $0x1C03  }
0x60: {  	[timem:s3], [sflag:s2] =	dma.local @!p0 [hbm:s0], s1  }
0x61: {  	s0 =	simm.s32 @!p0 $0x3  }
0x62: {  	_ =	swait.ge @!p0 [sflag:s0], s1  }
0x63: {  	s1 =	ssub.s32 @!p0 $0x0, s1;
	[sflag:s0] =	ssyncset.done @!p0 $0x0  }
0x64: {  	[sflag:s0] =	ssyncadd.s32 @!p0 s1  }
0x65: {  	[bflag:$0x3] =	sbarrier.arrive $0xFFFF  }
0x66: {  	_ =	shalt  }

// kernel: kernel.7.cloned.1.call-start
scs
__scs_entry_jumppad:
0x0: {  	(pc) =	sbr.rel $0x88, $3  }
0x1: {  	(tag) =	ssettag $0x0;
	lr =	simm.s32 $0x1  }
0x2: {  	[smem:$0x3F96] =	sst lr;
	_ =	strace $0xD0000000  }
0x3: {  	_ = 	snop  }
0x4: {  	_ = 	snop  }
0x5: {  	_ = 	snop  }
0x6: {  	_ = 	snop  }
0x7: {  	_ = 	snop  }
__scs_overlays_trampoline_lowered:
0x8: {  	[smem:$0x3FA5] =	sst s0  }
0x9: {  	[smem:$0x3FA6] =	sst s1  }
0xa: {  	[smem:$0x3FA7] =	sst s2  }
0xb: {  	[smem:$0x3FA8] =	sst s3  }
0xc: {  	[smem:$0x3FA9] =	sst s4  }
0xd: {  	[smem:$0x3FAA] =	sst s5  }
0xe: {  	[smem:$0x3FAB] =	sst s6  }
0xf: {  	[smem:$0x3FAC] =	sst s7  }
0x10: {  	[smem:$0x3FAD] =	sst s8  }
0x11: {  	[smem:$0x3FAE] =	sst s9;
	s0 =	simm.s32 @!p0 $0x0  }
0x12: {  	s1 =	sld [smem:$0x3F94];
	s0 =	simm.s32 @p0 $0x1  }
0x13: {  	[smem:$0x3FAF] =	sst s0;
	s0 =	simm.s32 @!p1 $0x0  }
0x14: {  	s2 =	sld [smem:$0x3F93];
	s0 =	simm.s32 @p1 $0x1  }
0x15: {  	[smem:$0x3FB0] =	sst s0;
	s0 =	simm.s32 @!p2 $0x0  }
0x16: {  	s3 =	sld [smem:$0x3FDB];
	s0 =	simm.s32 @p2 $0x1  }
0x17: {  	s4 =	simm.s32 $0x1BF5;
	[smem:$0x3FB2] =	sst s0  }
0x18: {  	s0 =	sld [smem:$0x3F95];
	_ =	swait.ge [sflag:s4], $0x0  }
0x19: {  	s7 =	sld [smem:$0x3F96]  }
0x1a: {  	s8 =	sadd.s32 $0xFFFFE003, lr  }
0x1b: {  	s9 =	sadd.s32 $0xFFFFFEF7, lr;
	s5 =	simm.s32 $0xFFFFFFFF;
	p2 =	slt.u32 s8, $0xFFFFF086  }
0x1c: {  	p1 =	slt.u32 s9, $0xF7A;
	s5 =	simm.s32 @!p2 $0x0  }
0x1d: {  	s5 =	simm.s32 @p1 $0x1;
	p0 =	seq.s32 s7, s2  }
0x1e: {  	s7 =	smul.u32 @!p0 $0xF7A, s2;
	p2 =	seq.s32 @!p0 s5, $0x0  }
0x1f: {  	s9 =	smul.u32 $0xF7A, s1;
	s8 =	simm.s32 @!p0 $0x1BF5;
	p2 =	por !p2, p0  }
0x20: {  	[sflag:s8] =	ssyncset.s32 @!p0 $0xFFFFF086;
	s6 =	sadd.s32 @!p0 s3, s7;
	s7 =	simm.s32 @!p0 $0x108  }
0x21: {  	s3 =	sadd.s32 s3, s9;
	s6 =	sadd.s32 @!p0 $0x88, s6;
	s7 =	simm.s32 @p2 $0x1082  }
0x22: {  	[simem:s7], [sflag:s8] =	dma.local @!p0 [hbm:s6], $0xF7A  }
0x23: {  	s9 =	sor.u32 $0xD0000000, s2;
	s6 =	simm.s32 $0x108;
	_ =	swait.ge @!p0 [sflag:s8], $0x0  }
0x24: {  	s3 =	sadd.s32 $0x88, s3;
	s6 =	simm.s32 @!p1 $0x1082;
	[sflag:s4] =	ssyncset.s32 $0xFFFFF086  }
0x25: {  	[simem:s6], [sflag:s4] =	dma.local [hbm:s3], $0xF7A  }
0x26: {  	[smem:$0x3F96] =	sst s1;
	(tag) =	ssettag s2;
	_ =	strace s9  }
0x27: {  	s1 =	sld [smem:$0x3FA6]  }
0x28: {  	s2 =	sld [smem:$0x3FA7]  }
0x29: {  	s4 =	sld [smem:$0x3FA9]  }
0x2a: {  	p0 =	seq.s32 s5, $0x0;
	s5 =	sld [smem:$0x3FAA]  }
0x2b: {  	s6 =	sld [smem:$0x3FAB]  }
0x2c: {  	s7 =	sld [smem:$0x3FAC]  }
0x2d: {  	s3 =	simm.s32 $0x108;
	s8 =	sld [smem:$0x3FAD]  }
0x2e: {  	s3 =	simm.s32 @!p0 $0x1082;
	s9 =	sld [smem:$0x3FAE]  }
0x2f: {  	lr =	sadd.s32 s0, s3;
	s0 =	sld [smem:$0x3FA5]  }
0x30: {  	s3 =	sld [smem:$0x3FA8]  }
0x31: {  	[smem:$0x3FB1] =	sst s10  }
0x32: {  	s10 =	sld [smem:$0x3FAF];
	_ =	sdelay $0x3  }
0x33: {  	p0 =	seq.s32 s10, $0x1;
	s10 =	sld [smem:$0x3FB1];
	_ =	sdelay $0x3  }
0x34: {  	[smem:$0x3FB1] =	sst s10  }
0x35: {  	s10 =	sld [smem:$0x3FB0];
	_ =	sdelay $0x3  }
0x36: {  	p1 =	seq.s32 s10, $0x1;
	s10 =	sld [smem:$0x3FB1];
	_ =	sdelay $0x3  }
0x37: {  	[smem:$0x3FB1] =	sst s10  }
0x38: {  	s10 =	sld [smem:$0x3FB2]  }
0x39: {  	_ = 	snop;
	(pc) =	sbr.ind lr, $3  }
0x3a: {  	_ = 	snop  }
0x3b: {  	_ = 	snop  }
0x3c: {  	p2 =	seq.s32 s10, $0x1;
	s10 =	sld [smem:$0x3FB1]  }
0x3d: {  	_ =	shalt  }
0x3e: {  	_ =	shalt  }
0x3f: {  	_ =	shalt  }
0x40: {  	_ =	shalt  }
0x41: {  	_ =	shalt  }
0x42: {  	_ =	shalt  }
0x43: {  	_ =	shalt  }
0x44: {  	_ =	shalt  }
0x45: {  	_ =	shalt  }
0x46: {  	_ =	shalt  }
0x47: {  	_ =	shalt  }
0x48: {  	_ =	shalt  }
0x49: {  	_ =	shalt  }
0x4a: {  	_ =	shalt  }
0x4b: {  	_ =	shalt  }
0x4c: {  	_ =	shalt  }
0x4d: {  	_ =	shalt  }
0x4e: {  	_ =	shalt  }
0x4f: {  	_ =	shalt  }
0x50: {  	_ =	shalt  }
0x51: {  	_ =	shalt  }
0x52: {  	_ =	shalt  }
0x53: {  	_ =	shalt  }
0x54: {  	_ =	shalt  }
0x55: {  	_ =	shalt  }
0x56: {  	_ =	shalt  }
0x57: {  	_ =	shalt  }
0x58: {  	_ =	shalt  }
0x59: {  	_ =	shalt  }
0x5a: {  	_ =	shalt  }
0x5b: {  	_ =	shalt  }
0x5c: {  	_ =	shalt  }
0x5d: {  	_ =	shalt  }
0x5e: {  	_ =	shalt  }
0x5f: {  	_ =	shalt  }
0x60: {  	_ =	shalt  }
0x61: {  	_ =	shalt  }
0x62: {  	_ =	shalt  }
0x63: {  	_ =	shalt  }
0x64: {  	_ =	shalt  }
0x65: {  	_ =	shalt  }
0x66: {  	_ =	shalt  }
0x67: {  	_ =	shalt  }
0x68: {  	_ =	shalt  }
0x69: {  	_ =	shalt  }
0x6a: {  	_ =	shalt  }
0x6b: {  	_ =	shalt  }
0x6c: {  	_ =	shalt  }
0x6d: {  	_ =	shalt  }
0x6e: {  	_ =	shalt  }
0x6f: {  	_ =	shalt  }
0x70: {  	_ =	shalt  }
0x71: {  	_ =	shalt  }
0x72: {  	_ =	shalt  }
0x73: {  	_ =	shalt  }
0x74: {  	_ =	shalt  }
0x75: {  	_ =	shalt  }
0x76: {  	_ =	shalt  }
0x77: {  	_ =	shalt  }
0x78: {  	_ =	shalt  }
0x79: {  	_ =	shalt  }
0x7a: {  	_ =	shalt  }
0x7b: {  	_ =	shalt  }
0x7c: {  	_ =	shalt  }
0x7d: {  	_ =	shalt  }
0x7e: {  	_ =	shalt  }
0x7f: {  	_ =	shalt  }
0x80: {  	_ =	shalt  }
0x81: {  	_ =	shalt  }
0x82: {  	_ =	shalt  }
0x83: {  	_ =	shalt  }
0x84: {  	_ =	shalt  }
0x85: {  	_ =	shalt  }
0x86: {  	_ =	shalt  }
0x87: {  	_ =	shalt  }
.Lfunc_end0:
.L_simem_size_0:
called_computation_lowered:
.L_overlay_start_0:
0x88: {  	s2 =	sld [smem:$0x3FD9]  }
0x89: {  	s3 =	sld [smem:$0x3FFE];
	_ =	sdelay $0x1  }
0x8a: {  	s1 =	srdreg.scid  }
0x8b: {  	s0 =	sand.u32 $0x1, s1  }
0x8c: {  	s17 =	sshll.u32 s0, $0xA;
	s2 =	sadd.s32 s3, s2  }
0x8d: {  	s2 =	sadd.s32 s2, s17  }
0x8e: {  	[smem:$0x3FBD] =	sst s2  }
0x8f: {  	_ = 	snop  }
0x90: {  	s2 =	sld [smem:$0x3FD0];
	(tm) =	ssettm $0x1  }
0x91: {  	s18 =	sld [smem:$0x3FFB];
	_ =	sdelay $0x3  }
0x92: {  	_ =	strace s18  }
0x93: {  	s3 =	sld [smem:$0x3FFC];
	_ =	sdelay $0x3  }
0x94: {  	_ =	strace s3  }
0x95: {  	s3 =	sld [smem:$0x3FFD];
	_ =	sdelay $0x3  }
0x96: {  	_ =	strace s3  }
0x97: {  	_ =	strace $0x8FFFFFFF  }
0x98: {  	s19 =	sld [smem:$0x3FDB];
	_ =	sdelay $0x1  }
0x99: {  	s4 =	simm.s32 $_scs_section_size  }
0x9a: {  	s5 =	simm.s32 $_size__tile_overlayer_lowered;
	s6 =	simm.s32 $_tile_overlayer_lowered  }
0x9b: {  	s22 =	simm.s32 $0x1BFF;
	s21 =	sshll.u32 s6, $0x1;
	s3 =	sadd.s32 s4, s19  }
0x9c: {  	s7 =	simm.s32 $0x0;
	s20 =	sshll.u32 s5, $0x1;
	s5 =	sadd.s32 s21, s3  }
0x9d: {  	[timem:s7], [sflag:s22] =	dma.local [hbm:s5], s20  }
0x9e: {  	_ =	swait.ge [sflag:s22], s20  }
0x9f: {  	s4 =	ssub.s32 $0x0, s20;
	[sflag:s22] =	ssyncset.done $0x0  }
0xa0: {  	[sflag:s22] =	ssyncadd.s32 s4;
	_ =	sdelay $0x1  }
0xa1: {  	s23 =	simm.s32 $0x1B8B  }
0xa2: {  	_ =	swait.ge [sflag:s23], $0x1  }
0xa3: {  	[sflag:s23] =	ssyncset.done $0x0  }
0xa4: {  	s25 =	simm.s32 $0x1B8E;
	s24 =	sld [smem:$0x3FFE];
	[sflag:s23] =	ssyncadd.s32 $0xFFFFFFFF  }
0xa5: {  	s26 =	simm.s32 $execute0_lowered;
	[smem:$0x3FD2] =	sst s25  }
0xa6: {  	s5 =	sshll.u32 s26, $0x1;
	_ =	strace $0x80000046;
	[dreg:$0x1] =	wrdreg $0xFFFFFFFF  }
0xa7: {  	s28 =	simm.s32 $_size_execute0_lowered;
	s3 =	sadd.s32 s3, s5;
	[dreg:$0x0] =	wrdreg $0x0  }
0xa8: {  	s5 =	sshll.u32 s28, $0x1;
	[dreg:$0x2] =	wrdreg s3  }
0xa9: {  	[dreg:$0x3] =	wrdreg s5  }
0xaa: {  	[dreg:$0x4] =	wrdreg $0xC0  }
0xab: {  	_ =	task [dreg:s7], $0x5FFFF  }
0xac: {  	[dreg:$0x1] =	wrdreg $0xFFFFFFFF  }
0xad: {  	[dreg:$0x0] =	wrdreg $0x60  }
0xae: {  	[dreg:$0x2] =	wrdreg s24  }
0xaf: {  	[dreg:$0x3] =	wrdreg s2  }
0xb0: {  	[dreg:$0x4] =	wrdreg $0xB7800  }
0xb1: {  	[dreg:$0x5] =	wrdreg $0x9  }
0xb2: {  	_ =	task.clear_ibuf [dreg:s7], $0x6FFFF;
	_ =	strace $0x90000046  }
0xb3: {  	s29 =	simm.s32 $0x9;
	_ =	strace $0x80000048  }
0xb4: {  	_ =	swait.ge [sflag:s29], $0x1  }
0xb5: {  	[sflag:s29] =	ssyncadd.s32 $0xFFFFFFFF  }
0xb6: {  	_ =	strace $0x90000048  }
0xb7: {  	_ =	sfence  }
0xb8: {  	s30 =	sld [smem:$0x0];
	_ =	sdelay $0x2  }
0xb9: {  	s31 =	sshll.u32 s1, $0xD;
	s1 =	sshrl.u32 s1, $0x2  }
0xba: {  	s3 =	sand.u32 $0x4000, s31;
	s1 =	sadd.s32 s1, s30  }
0xbb: {  	s0 =	sor.u32 s3, s0;
	s1 =	sshll.u32 s1, $0x11  }
0xbc: {  	s0 =	sor.u32 s1, s0  }
0xbd: {  	s0 =	sadd.s32 $0x8F2B, s0  }
0xbe: {  	[sflag:s0] =	ssyncadd.remote.s32 $0x1  }
0xbf: {  	_ =	sfence.sel $0xFFFF  }
0xc0: {  	[dreg:$0x0] =	wrdreg $0xFFFFFFFF;
	(pc) =	sbr.abs _section_cstart, $3  }
0xc1: {  	[dreg:$0x1] =	wrdreg $0xFFFFFFFF  }
0xc2: {  	_ =	task.clear_ibuf [dreg:s7], $0x2FFFF;
	_ =	strace $0x9FFFFFFF  }
0xc3: {  	(tm) =	ssettm $0x7FFFFFFF  }
tec
execute0_lowered:
.L_overlay_start_1:
0x0: {  	(tag) =	ssettag $0x1  }
0x1: {  	s4 =	rddreg [dreg:$0x0]  }
0x2: {  	s6 =	rddreg [dreg:$0x1];
	s0 =	srdreg.scid  }
0x3: {  	s12 =	stileid.u32;
	s1 =	rddreg [dreg:$0x2]  }
0x4: {  	s2 =	simm.s32 $0x0;
	s17 =	simm.s32 $0x50;
	s18 =	simm.s32 $0x8F80  }
0x5: {  	s19 =	simm.s32 $0x1;
	s20 =	simm.s32 $0x2;
	s21 =	simm.s32 $0x6580  }
0x6: {  	s22 =	simm.s32 $0x0;
	s5 =	sand.u32 $0x1, s0;
	s0 =	rddreg [dreg:$0x3]  }
0x7: {  	s3 =	sshll.u32 s12, $0x1;
	[smem:$0x7FF] =	sst s2;
	s9 =	smul.u32 $0x4E000, s12  }
0x8: {  	s11 =	smul.u32 $0x13800, s12;
	s13 =	sadd.s32 $0x154600, s4;
	s28 =	sshll.u32 s12, $0x6  }
0x9: {  	s16 =	sadd.s32 $0x138000, s1;
	p0 =	sne.s32 s12, $0x0;
	_ =	strace $0x80000047  }
0xa: {  	s7 =	sor.u32 s5, s3;
	s3 =	sadd.s32 $0x1BE00, s4;
	s29 =	smul.u32 $0x138800, s5  }
0xb: {  	s24 =	ssub.s32 $0x2, s5;
	s5 =	sor.u32 $0x1C03, s28;
	s8 =	smul.u32 $0x4E2, s7  }
0xc: {  	s7 =	sshll.u32 s7, $0xB;
	s25 =	sshrl.u32 s24, $0x1;
	s9 =	sshrl.u32 s9, $0x2  }
0xd: {  	s26 =	sshrl.u32 s11, $0x3;
	s10 =	sadd.s32 s7, s4;
	s14 =	ssub.s32 s24, s25  }
0xe: {  	s15 =	sadd.s32 s9, s1;
	s11 =	sadd.s32 s11, s29;
	s9 =	sshrl.u32 s29, $0x3  }
0xf: {  	s8 =	sadd.s32 s8, s4;
	s4 =	sadd.s32 s6, s26;
	s6 =	sadd.s32 $0x27000, s6  }
0x10: {  	s30 =	sshrl.u32 s11, $0x3;
	s31 =	sadd.s32 s13, s9;
	s11 =	smax.u32 s14, $0x1  }
0x11: {  	s12 =	sshrl.u32 s15, $0x3;
	s14 =	sshrl.u32 @!p0 s16, $0x3;
	s15 =	simm.s32 $0x2780  }
0x12: {  	s16 =	simm.s32 $0x6780;
	s7 =	sadd.s32 $0x12000, s8;
	s8 =	sadd.s32 $0x2000, s10  }
0x13: {  	s9 =	sadd.s32 s13, s30;
	s10 =	sadd.s32 $0x27000, s31;
	s13 =	simm.s32 $0x3  }
.LBB2_1:
0x14: {  	[spmem:s12], [sflag:s5] =	dma.local [hbm:s4], $0x2700  }
0x15: {  	_ =	swait.ge [sflag:s13], $0x2700  }
0x16: {  	[sflag:s13] =	ssyncset.done $0x0  }
0x17: {  	s23 =	simm.s32 @!p0 $0x3;
	[sflag:s13] =	ssyncadd.s32 $0xFFFFD900  }
0x18: {  	[spmem:s14], [sflag:s5] =	dma.local @!p0 [hbm:s6], $0x100  }
0x19: {  	_ =	swait.ge @!p0 [sflag:s23], $0x100  }
0x1a: {  	[sflag:s23] =	ssyncset.done @!p0 $0x0  }
0x1b: {  	[sflag:s23] =	ssyncadd.s32 @!p0 $0xFFFFFF00  }
0x1c: {  	[tilespmem:s2], [sflag:$0x3] =	stream.linear.gather [hbm4b:s7+s2], $0x2710, $0x38;
	[tilespmem:$0x1F000] =	vst v63  }
0x1d: {  	_ =	swait.ge [sflag:s13], $0x2710  }
0x1e: {  	[sflag:s13] =	ssyncset.done $0x0  }
0x1f: {  	[sflag:s13] =	ssyncadd.s32 $0xFFFFD8F0  }
0x20: {  	[tilespmem:s15], [sflag:$0x3] =	stream.linear.gather [hbm4b:s8+s2], $0x3E80, $0x38;
	[tilespmem:$0x1F000] =	vst v63  }
0x21: {  	_ =	swait.ge [sflag:s13], $0x3E80  }
0x22: {  	[sflag:s13] =	ssyncset.done $0x0  }
0x23: {  	[sflag:s13] =	ssyncadd.s32 $0xFFFFC180  }
0x24: {  	[bflag:$0x0] =	sbarrier.arrive $0xFFFF  }
0x25: {  	[tilespmem:s16], [sflag:$0x1] =	stream.indirect.gather [hbm4b:s3+s17], $0x80, s2, s17, $0xb8;
	[tilespmem:$0x1F000] =	vst v63  }
0x26: {  	_ = 	snop  }
0x27: {  	[tilespmem:s18], [sflag:$0x2] =	stream.indirect.gather [hbm4b:s3+s17], $0x80, s17, s17, $0xb8;
	[tilespmem:$0x1F000] =	vst v63  }
0x28: {  	_ =	swait.ge [sflag:s19], $0x2800  }
0x29: {  	[sflag:s19] =	ssyncset.done $0x0  }
0x2a: {  	s29 =	simm.s32 $0x2780;
	[sflag:s19] =	ssyncadd.s32 $0xFFFFD800  }
0x2b: {  	[spmem:s1] =	stream.indirect.scatter.add.f32 [tilespmem:s16], [sflag:$0x3], $0x80, s29, s17, $0xb8;
	[tilespmem:$0x1F000] =	vst v63  }
0x2c: {  	_ =	swait.ge [sflag:s13], $0x2800  }
0x2d: {  	[sflag:s13] =	ssyncset.done $0x0  }
0x2e: {  	s30 =	simm.s32 $0xA0;
	[sflag:s13] =	ssyncadd.s32 $0xFFFFD800  }
0x2f: {  	[tilespmem:s16], [sflag:$0x1] =	stream.indirect.gather [hbm4b:s3+s17], $0x80, s30, s17, $0xb8;
	[tilespmem:$0x1F000] =	vst v63  }
0x30: {  	_ =	swait.ge [sflag:s20], $0x2800  }
0x31: {  	[sflag:s20] =	ssyncset.done $0x0  }
0x32: {  	s31 =	simm.s32 $0x2800;
	[sflag:s20] =	ssyncadd.s32 $0xFFFFD800  }
0x33: {  	[spmem:s1] =	stream.indirect.scatter.add.f32 [tilespmem:s18], [sflag:$0x3], $0x80, s31, s17, $0xb8;
	[tilespmem:$0x1F000] =	vst v63  }
0x34: {  	_ =	swait.ge [sflag:s13], $0x2800  }
0x35: {  	s24 =	simm.s32 $0x50;
	s23 =	simm.s32 $0x400;
	[sflag:s13] =	ssyncset.done $0x0  }
.LBB2_2:
0x36: {  	p1 =	sne.s32 s23, $0xF400;
	[sflag:s13] =	ssyncadd.s32 $0xFFFFD800;
	s24 =	sadd.s32 $0xA0, s24  }
0x37: {  	[tilespmem:s18], [sflag:$0x2] =	stream.indirect.gather [hbm4b:s3+s17], $0x80, s24, s17, $0xb8;
	[tilespmem:$0x1F000] =	vst v63  }
0x38: {  	s25 =	smov.u32 s23;
	s23 =	sadd.s32 $0x400, s23;
	_ =	swait.ge [sflag:s19], $0x2800  }
0x39: {  	s25 =	sshra.s32 s25, $0x2;
	[sflag:s19] =	ssyncset.done $0x0  }
0x3a: {  	s26 =	sadd.s32 $0x2780, s25;
	[sflag:s19] =	ssyncadd.s32 $0xFFFFD800  }
0x3b: {  	[spmem:s1] =	stream.indirect.scatter.add.f32 [tilespmem:s16], [sflag:$0x3], $0x80, s26, s17, $0xb8;
	[tilespmem:$0x1F000] =	vst v63  }
0x3c: {  	_ =	swait.ge [sflag:s13], $0x2800  }
0x3d: {  	[sflag:s13] =	ssyncset.done $0x0  }
0x3e: {  	s26 =	sadd.s32 $0x50, s24;
	[sflag:s13] =	ssyncadd.s32 $0xFFFFD800  }
0x3f: {  	[tilespmem:s16], [sflag:$0x1] =	stream.indirect.gather [hbm4b:s3+s17], $0x80, s26, s17, $0xb8;
	[tilespmem:$0x1F000] =	vst v63  }
0x40: {  	_ =	swait.ge [sflag:s20], $0x2800  }
.Ltmp0:
0x41: {  	[sflag:s20] =	ssyncset.done $0x0;
	(pc) =	sbr.rel @p1 .LBB2_2-.Ltmp0, $4  }
0x42: {  	s25 =	sadd.s32 $0x2800, s25;
	[sflag:s20] =	ssyncadd.s32 $0xFFFFD800  }
0x43: {  	[spmem:s1] =	stream.indirect.scatter.add.f32 [tilespmem:s18], [sflag:$0x3], $0x80, s25, s17, $0xb8;
	[tilespmem:$0x1F000] =	vst v63  }
0x44: {  	_ =	swait.ge [sflag:s13], $0x2800  }
0x45: {  	[sflag:s13] =	ssyncset.done $0x0  }
0x46: {  	[sflag:s13] =	ssyncadd.s32 $0xFFFFD800  }
0x47: {  	_ =	swait.ge [sflag:s19], $0x2800  }
0x48: {  	[sflag:s19] =	ssyncset.done $0x0  }
0x49: {  	[sflag:s19] =	ssyncadd.s32 $0xFFFFD800  }
0x4a: {  	[spmem:s1] =	stream.indirect.scatter.add.f32 [tilespmem:s16], [sflag:$0x3], $0x80, s21, s17, $0xb8;
	[tilespmem:$0x1F000] =	vst v63  }
0x4b: {  	_ =	swait.ge [sflag:s13], $0x2800  }
0x4c: {  	[sflag:s13] =	ssyncset.done $0x0  }
0x4d: {  	[sflag:s13] =	ssyncadd.s32 $0xFFFFD800  }
0x4e: {  	[bflag:$0x0] =	sbarrier.arrive $0xFFFF  }
0x4f: {  	[hbm:s9], [sflag:s5] =	dma.local [spmem:s12], $0x2700  }
0x50: {  	s22 =	sadd.s32 $0x1, s22;
	_ =	swait.ge [sflag:s13], $0x2700  }
0x51: {  	p1 =	sne.s32 s22, s11;
	[sflag:s13] =	ssyncset.done $0x0  }
.Ltmp1:
0x52: {  	s23 =	simm.s32 @!p0 $0x3;
	[sflag:s13] =	ssyncadd.s32 $0xFFFFD900;
	(pc) =	sbr.rel @p1 .LBB2_1-.Ltmp1, $4  }
0x53: {  	[hbm:s10], [sflag:s5] =	dma.local @!p0 [spmem:s14], $0x100  }
0x54: {  	_ =	swait.ge @!p0 [sflag:s23], $0x100  }
0x55: {  	[sflag:s23] =	ssyncset.done @!p0 $0x0  }
0x56: {  	[sflag:s23] =	ssyncadd.s32 @!p0 $0xFFFFFF00  }
0x57: {  	_ =	sfence.sel $0x180000  }
0x58: {  	[bflag:$0x0] =	sbarrier.arrive $0xFFFF  }
0x59: {  	_ =	strace $0x90000047  }
0x5a: {  	s0 =	sadd.s32 @!p0 $0x100000, s0;
	[bflag:$0x2] =	sbarrier.arrive $0xFFFF  }
0x5b: {  	[sflag:s0] =	ssyncadd.tile.s32 @!p0 $0x1;
	_ =	shalt  }
.Lfunc_end2:
_tile_overlayer_lowered:
.L_overlay_start_2:
0x5c: {  	(tag) =	ssettag $0x2  }
0x5d: {  	s0 =	rddreg [dreg:$0x0];
	s2 =	stileid.u32  }
0x5e: {  	s1 =	rddreg [dreg:$0x1];
	p0 =	sne.s32 s2, $0x0  }
0x5f: {  	s3 =	rddreg [dreg:$0x2];
	[bflag:$0x3] =	sbarrier.arrive $0xFFFF;
	s2 =	simm.s32 @!p0 $0x1C03  }
0x60: {  	[timem:s3], [sflag:s2] =	dma.local @!p0 [hbm:s0], s1  }
0x61: {  	s0 =	simm.s32 @!p0 $0x3  }
0x62: {  	_ =	swait.ge @!p0 [sflag:s0], s1  }
0x63: {  	s1 =	ssub.s32 @!p0 $0x0, s1;
	[sflag:s0] =	ssyncset.done @!p0 $0x0  }
0x64: {  	[sflag:s0] =	ssyncadd.s32 @!p0 s1  }
0x65: {  	[bflag:$0x3] =	sbarrier.arrive $0xFFFF  }
0x66: {  	_ =	shalt  }

</sc_bundles>
